<compile_context>
chip_gen: v7x
topology: tpu7x:2x2x1
jax: 0.10.2.dev20260603
libtpu: 0.0.44.dev20260713+nightly
codegen_flags: <defaults>
</compile_context>

<pallas_src>
import functools

import jax
import jax.numpy as jnp
from jax import lax
from jax.experimental import pallas as pl
from jax.experimental.pallas import tpu as pltpu
from jax.experimental.pallas import tpu_sc as plsc

S = 16384
HALF = S // 2
FEAT = 128
K = 512
BLK = 4096
OB = 1024


def _sc_gather(table, idx, start, n, tidx=None):
    info = plsc.get_sparse_core_info()
    nc, ns = info.num_cores, info.num_subcores
    nw = nc * ns
    bpw = n // nw
    d = table.shape[1]
    mesh = plsc.VectorSubcoreMesh(core_axis_name="c", subcore_axis_name="s")

    out_type = [jax.ShapeDtypeStruct((n, d), table.dtype)]
    scratch = [
        pltpu.VMEM((bpw,), jnp.int32),
        pltpu.VMEM((bpw, d), table.dtype),
        pltpu.SemaphoreType.DMA,
    ]
    if tidx is not None:
        out_type.append(jax.ShapeDtypeStruct((8, d), table.dtype))
        scratch += [pltpu.VMEM((8,), jnp.int32), pltpu.VMEM((8, d), table.dtype),
                    pltpu.SemaphoreType.DMA]

    @functools.partial(
        pl.kernel, mesh=mesh, out_type=tuple(out_type), scratch_types=scratch,
    )
    def gk(table_hbm, idx_hbm, *rest):
        if tidx is not None:
            (tidx_hbm, out_hbm, out2_hbm, idx_v, rows_v, sem,
             tidx_v, rows2_v, sem2) = rest
        else:
            out_hbm, idx_v, rows_v, sem = rest
        wid = lax.axis_index("s") * nc + lax.axis_index("c")
        base = start + wid * bpw
        pltpu.sync_copy(idx_hbm.at[pl.ds(base, bpw)], idx_v)
        copies = []
        off = 0
        while off < bpw:
            sz = min(128, bpw - off)
            copies.append(
                pltpu.async_copy(
                    table_hbm.at[idx_v.at[pl.ds(off, sz)]],
                    rows_v.at[pl.ds(off, sz)],
                    sem,
                )
            )
            off += sz
        if tidx is not None:
            @pl.when(wid == 0)
            def _():
                pltpu.sync_copy(tidx_hbm, tidx_v)
                pltpu.async_copy(table_hbm.at[tidx_v], rows2_v, sem2).wait()
                pltpu.sync_copy(rows2_v, out2_hbm)
        for c in copies:
            c.wait()
        pltpu.sync_copy(rows_v, out_hbm.at[pl.ds(wid * bpw, bpw)])

    if tidx is not None:
        return gk(table, idx, tidx)
    return gk(table, idx)[0]


_DN = (((1,), (1,)), ((), ()))


def _mlp_kernel(g, adj, w1, w2, l1wt, l1b, l2wt, l2b, l3w, l3b,
                tar, add, wlab, wsec, out_ref, ta_scr):
    i = pl.program_id(0)

    @pl.when(i == 0)
    def _():
        ta_scr[:, 0:16] = jnp.dot(jnp.dot(tar[0:1, :], w1[...]), w2[...])
        ta_scr[:, 16:32] = jnp.dot(jnp.dot(add[...], w1[...]), w2[...])

    sub_xw = jnp.dot(jnp.dot(g[...], w1[...]), w2[...])
    concat = jnp.concatenate([
        jnp.broadcast_to(ta_scr[:, 0:16], (BLK, 16)),
        sub_xw,
        jnp.broadcast_to(ta_scr[:, 16:32], (BLK, 16)),
        adj[...],
        jnp.broadcast_to(wlab[...], (BLK, FEAT)),
        jnp.broadcast_to(wsec[...], (BLK, FEAT)),
    ], axis=1)
    h = jnp.dot(concat, l1wt[...]) + l1b[...]
    h = jnp.where(h >= 0, h, 0.01 * h)
    h = jnp.dot(h, l2wt[...]) + l2b[...]
    h = jnp.where(h >= 0, h, 0.01 * h)
    ht = lax.transpose(h, (1, 0))
    for j in range(BLK // OB):
        o = jnp.dot(l3w[...], ht[:, j * OB:(j + 1) * OB]) + l3b[...]
        out_ref[j:j + 1, 0, :] = o


def _mlp_call(g, adj, row0, w1, w2, l1wt, l1b, l2wt, l2b, l3w, l3b,
              tar, add, wlab, wsec, interpret=False):
    n = g.shape[0]
    grid = (n // BLK,)
    blk0 = row0 // BLK

    def full(x):
        return pl.BlockSpec(x.shape, lambda i: (0,) * x.ndim)

    in_specs = [
        pl.BlockSpec((BLK, FEAT), lambda i: (i, 0)),
        pl.BlockSpec((BLK, 1), lambda i: (i + blk0, 0)),
    ] + [full(x) for x in (w1, w2, l1wt, l1b, l2wt, l2b, l3w, l3b,
                           tar, add, wlab, wsec)]
    rpb = BLK // OB
    return pl.pallas_call(
        _mlp_kernel,
        grid=grid,
        in_specs=in_specs,
        out_specs=pl.BlockSpec((rpb, 1, OB), lambda i: (i, 0, 0)),
        out_shape=jax.ShapeDtypeStruct((n // OB, 1, OB), jnp.float32),
        scratch_shapes=[pltpu.VMEM((1, 32), jnp.float32)],
        interpret=interpret,
    )(g, adj, w1, w2, l1wt, l1b, l2wt, l2b, l3w, l3b, tar, add, wlab, wsec)


def _linear_prefix(eqi):
    rows, cols = eqi.shape
    lane = lax.broadcasted_iota(jnp.int32, eqi.shape, 1)
    rowc = eqi
    k = 1
    while k < cols:
        sh = pltpu.roll(rowc, k, 1)
        rowc = rowc + jnp.where(lane >= k, sh, 0)
        k *= 2
    rowtot = rowc[:, cols - 1:cols]
    sub = lax.broadcasted_iota(jnp.int32, (rows, 1), 0)
    off = rowtot
    k = 1
    while k < rows:
        sh = pltpu.roll(off, k, 0)
        off = off + jnp.where(sub >= k, sh, 0)
        k *= 2
    rowoff = off - rowtot
    return rowc + rowoff


def _sum11(x):
    return jnp.sum(jnp.sum(x, axis=1, keepdims=True), axis=0, keepdims=True)


def _select_kernel(l0_ref, l1_ref, ov_ref, out_ref):
    rows = HALF // OB
    a = l0_ref[...].reshape(rows, OB)
    b = l1_ref[...].reshape(rows, OB)
    m = jnp.maximum(jnp.max(a), jnp.max(b))
    ea = jnp.exp(a - m)
    eb = jnp.exp(b - m)
    s = jnp.sum(ea) + jnp.sum(eb)
    sa = ea / s
    sb = eb / s
    ba = lax.bitcast_convert_type(sa, jnp.int32)
    bb = lax.bitcast_convert_type(sb, jnp.int32)

    def tbody(_, lohi):
        lo, hi = lohi
        mid = lo + (hi - lo) // 2
        cnt = (_sum11(jnp.where(ba > mid, 1, 0))
               + _sum11(jnp.where(bb > mid, 1, 0)))
        below = cnt < K
        return (jnp.where(below, lo, mid), jnp.where(below, mid, hi))

    lo0 = jnp.full((1, 1), -1, jnp.int32)
    hi0 = jnp.full((1, 1), 0x7F800000, jnp.int32)
    _, t = lax.fori_loop(0, 32, tbody, (lo0, hi0))
    gta = ba > t
    gtb = bb > t
    eqa = (ba == t).astype(jnp.int32)
    eqb = (bb == t).astype(jnp.int32)
    need = (K - _sum11(jnp.where(gta, 1, 0)) - _sum11(jnp.where(gtb, 1, 0)))
    inca = _linear_prefix(eqa)
    incb = _linear_prefix(eqb) + _sum11(eqa)
    ov = ov_ref[0, 0]
    zero = jnp.float32(0.0)
    va = jnp.where(gta | ((eqa > 0) & (inca <= need)), ov, zero)
    vb = jnp.where(gtb | ((eqb > 0) & (incb <= need)), ov, zero)
    out_ref[...] = jnp.concatenate([va, vb], axis=0)


def _select_call(l0, l1, one_val, interpret=False):
    def full(x):
        return pl.BlockSpec(x.shape, lambda: (0,) * x.ndim)

    return pl.pallas_call(
        _select_kernel,
        in_specs=[full(l0), full(l1),
                  pl.BlockSpec(memory_space=pltpu.SMEM)],
        out_specs=pl.BlockSpec((S // OB, OB), lambda: (0, 0)),
        out_shape=jax.ShapeDtypeStruct((S // OB, OB), jnp.float32),
        interpret=interpret,
    )(l0, l1, one_val)


def kernel(budget, target, sub_graph_nodes, new_feat, adj_tensor, wlabel, wsec,
           weight1, weight2, l1_w, l1_b, l2_w, l2_b, l3_w, l3_b):
    idx = sub_graph_nodes.astype(jnp.int32)
    tidx = jnp.concatenate([target.astype(jnp.int32), jnp.zeros((7,), jnp.int32)])
    g0, tar_rows = _sc_gather(new_feat, idx, 0, HALF, tidx=tidx)
    g1 = _sc_gather(new_feat, idx, HALF, HALF)

    l1wt = l1_w.T
    l2wt = l2_w.T
    l1b = l1_b.reshape(1, 512)
    l2b = l2_b.reshape(1, 32)
    l3b = l3_b.reshape(1, 1)
    add_row = new_feat[-1:]

    lg0 = _mlp_call(g0, adj_tensor, 0, weight1, weight2, l1wt, l1b, l2wt,
                    l2b, l3_w, l3b, tar_rows, add_row, wlabel, wsec)
    lg1 = _mlp_call(g1, adj_tensor, HALF, weight1, weight2, l1wt, l1b, l2wt,
                    l2b, l3_w, l3b, tar_rows, add_row, wlabel, wsec)

    one_val = (jnp.asarray(budget, jnp.float32) / jnp.float32(K)).reshape(1, 1)
    hard = _select_call(lg0, lg1, one_val)
    score = hard.reshape(S)
    score_idx = sub_graph_nodes.reshape(1, -1)
    return (score, score_idx)

# --- scband reference (transcript-rebuilt; emitter-appended) ---
"""Pipeline reference for scband-edge-generation-26663156973809 (READ-ONLY COPY).

The authoritative reference and input builder live on the scoring server;
editing this copy changes nothing except your own understanding.
"""

import jax, jax.numpy as jnp
import numpy as np

N_NODES = 50000
FEAT_DIM = 128
S = 16384
LABEL_DIM = 16
HIDW = 64
BUDGET = 512
IN_DIM = 3 * LABEL_DIM + 2 * FEAT_DIM + 1  # 305 = MLP input_dim


def setup_inputs(seed: int = 0) -> dict:
    key = jax.random.key(seed)
    ks = jax.random.split(key, 14)
    new_feat = jax.random.normal(ks[0], (N_NODES + 1, FEAT_DIM), dtype=jnp.float32)
    target = jax.random.randint(ks[1], (1,), 0, N_NODES)
    sub_graph_nodes = jax.random.randint(ks[2], (S,), 0, N_NODES)
    adj_tensor = jax.random.uniform(ks[3], (S, 1), dtype=jnp.float32)
    wlabel = jax.random.normal(ks[4], (1, FEAT_DIM), dtype=jnp.float32)
    wsec = jax.random.normal(ks[5], (1, FEAT_DIM), dtype=jnp.float32)
    weight1 = jax.random.normal(ks[6], (FEAT_DIM, HIDW), dtype=jnp.float32) * 0.05
    weight2 = jax.random.normal(ks[7], (HIDW, LABEL_DIM), dtype=jnp.float32) * 0.05
    l1_w = jax.random.normal(ks[8], (512, IN_DIM), dtype=jnp.float32) * np.sqrt(2.0 / IN_DIM).astype(np.float32)
    l1_b = jnp.zeros((512,), dtype=jnp.float32)
    l2_w = jax.random.normal(ks[9], (32, 512), dtype=jnp.float32) * np.sqrt(2.0 / 512).astype(np.float32)
    l2_b = jnp.zeros((32,), dtype=jnp.float32)
    l3_w = jax.random.normal(ks[10], (1, 32), dtype=jnp.float32) * np.sqrt(2.0 / 32).astype(np.float32)
    l3_b = jnp.zeros((1,), dtype=jnp.float32)
    return {"budget": BUDGET, "target": target, "sub_graph_nodes": sub_graph_nodes,
            "new_feat": new_feat, "adj_tensor": adj_tensor, "wlabel": wlabel, "wsec": wsec,
            "weight1": weight1, "weight2": weight2,
            "l1_w": l1_w, "l1_b": l1_b, "l2_w": l2_w, "l2_b": l2_b, "l3_w": l3_w, "l3_b": l3_b}


def reference(budget, target, sub_graph_nodes, new_feat, adj_tensor, wlabel, wsec,
              weight1, weight2, l1_w, l1_b, l2_w, l2_b, l3_w, l3_b):
    n_sub = sub_graph_nodes.shape[0]
    # concat(): projected features for candidates / target / injected node
    sub_xw = (jnp.take(new_feat, sub_graph_nodes, axis=0) @ weight1) @ weight2   # [S, LABEL_DIM]
    tar_xw = (jnp.take(new_feat, target, axis=0) @ weight1) @ weight2            # [1, LABEL_DIM]
    add_xw = (new_feat[-1:] @ weight1) @ weight2                                  # [1, LABEL_DIM]
    tar_xw_rep = jnp.tile(tar_xw, (n_sub, 1))
    add_xw_rep = jnp.tile(add_xw, (n_sub, 1))
    norm_a_target = adj_tensor  # adj_tensor.shape[1] == 1 branch
    w_rep = jnp.tile(wlabel, (n_sub, 1))
    w_sec_rep = jnp.tile(wsec, (n_sub, 1))
    concat = jnp.concatenate((tar_xw_rep, sub_xw, add_xw_rep, norm_a_target, w_rep, w_sec_rep), axis=1)  # [S, 305]
    # MLP(305 -> 512 -> 32 -> 1) with LeakyReLU(0.01)
    h = jax.nn.leaky_relu(concat @ l1_w.T + l1_b, 0.01)
    h = jax.nn.leaky_relu(h @ l2_w.T + l2_b, 0.01)
    out = h @ l3_w.T + l3_b            # [S, 1]
    logits = jnp.squeeze(out.T, axis=0)  # transpose(0,1).squeeze(0) -> [S]
    # st_topk (train_flag=True straight-through path)
    soft = jax.nn.softmax(logits, axis=-1)
    _, idx = jax.lax.top_k(soft, BUDGET)
    one_val = (jnp.asarray(budget, dtype=logits.dtype) / BUDGET)
    hard = jnp.zeros_like(logits).at[idx].set(one_val)
    score = hard - jax.lax.stop_gradient(soft) + soft
    score_idx = sub_graph_nodes.reshape(1, -1)
    return (score, score_idx)

if __name__ == "__main__":
    import jax
    _d = setup_inputs()
    print(jax.jit(kernel)(*tuple(_d.values())))

</pallas_src>

<mosaic_0001>
#map = affine_map<(d0, d1) -> (0, 0)>
#map1 = affine_map<(d0, d1) -> (0)>
module attributes {stable_mosaic.version = 14 : i64} {
  func.func @gk(%arg0: i32, %arg1: i32, %arg2: memref<50001x128xf32, #tpu.memory_space<hbm>>, %arg3: memref<16384xi32, #tpu.memory_space<hbm>>, %arg4: memref<8192x128xf32, #tpu.memory_space<hbm>>, %arg5: memref<256xi32, #tpu.memory_space<vmem>>, %arg6: memref<256x128xf32, #tpu.memory_space<vmem>>, %arg7: memref<!tpu.dma_semaphore, #tpu.memory_space<semaphore_mem>>) attributes {dimension_semantics = [#tpu.dimension_semantics<core_parallel>, #tpu.dimension_semantics<subcore_parallel>], iteration_bounds = array<i64: 2, 16>, scalar_prefetch = 0 : i64, scratch_operands = 3 : i64, tpu.core_type = #tpu.core_type<sc_vector_subcore>, window_params = [{transform_indices = #map}, {transform_indices = #map1}, {transform_indices = #map}]} {
    %mul3A = arith.constant 2 : i32
    %mul3A_0 = arith.muli %arg1, %mul3A : i32
    %add3A = arith.addi %mul3A_0, %arg0 : i32
    %mul3A_1 = arith.constant 256 : i32
    %mul3A_2 = arith.muli %add3A, %mul3A_1 : i32
    %add3A_3 = arith.constant 8192 : i32
    %add3A_4 = arith.addi %add3A_3, %mul3A_2 : i32
    "tpu.region"() ({
      %run_scoped3A = tpu.sem_alloc : memref<!tpu.dma_semaphore, #tpu.memory_space<semaphore_mem>>
      %dma_start3A_37 = tpu.memref_slice %arg3[%add3A_4] : memref<16384xi32, #tpu.memory_space<hbm>> -> memref<256xi32, #tpu.memory_space<hbm>>
      %dma_start3A_38 = tpu.memref_slice %arg3[%add3A_4] : memref<16384xi32, #tpu.memory_space<hbm>> -> memref<256xi32, #tpu.memory_space<hbm>>
      tpu.enqueue_dma source(%dma_start3A_38 : memref<256xi32, #tpu.memory_space<hbm>>) target(%arg5 : memref<256xi32, #tpu.memory_space<vmem>>) target_semaphore(%run_scoped3A : memref<!tpu.dma_semaphore, #tpu.memory_space<semaphore_mem>>)
      %dma_wait3A_39 = tpu.memref_slice %arg3[%add3A_4] : memref<16384xi32, #tpu.memory_space<hbm>> -> memref<256xi32, #tpu.memory_space<hbm>>
      %dma_wait3A_40 = tpu.memref_slice %arg3[%add3A_4] : memref<16384xi32, #tpu.memory_space<hbm>> -> memref<256xi32, #tpu.memory_space<hbm>>
      tpu.wait_dma2 semaphore(%run_scoped3A : memref<!tpu.dma_semaphore, #tpu.memory_space<semaphore_mem>>) src(%dma_wait3A_40 : memref<256xi32, #tpu.memory_space<hbm>>) dst(%arg5 : memref<256xi32, #tpu.memory_space<vmem>>)
      tpu.yield
    }) : () -> ()
    %dma_start3A = arith.constant 0 : i32
    %dma_start3A_5 = arith.constant 0 : i32
    %dma_start3A_6 = tpu.memref_slice %arg6[%dma_start3A, %dma_start3A_5] : memref<256x128xf32, #tpu.memory_space<vmem>> -> memref<128x128xf32, #tpu.memory_space<vmem>>
    %dma_start3A_7 = arith.constant 0 : i32
    %dma_start3A_8 = tpu.memref_slice %arg5[%dma_start3A_7] : memref<256xi32, #tpu.memory_space<vmem>> -> memref<128xi32, #tpu.memory_space<vmem>>
    %dma_start3A_9 = arith.constant 0 : i32
    %dma_start3A_10 = arith.constant 0 : i32
    %dma_start3A_11 = tpu.memref_slice %arg2[%dma_start3A_9, %dma_start3A_10] : memref<50001x128xf32, #tpu.memory_space<hbm>> -> memref<50001x128xf32, #tpu.memory_space<hbm>>
    tpu.enqueue_indirect_dma source(%dma_start3A_11 : memref<50001x128xf32, #tpu.memory_space<hbm>>) target(%dma_start3A_6 : memref<128x128xf32, #tpu.memory_space<vmem>>) offsets(%dma_start3A_8 : memref<128xi32, #tpu.memory_space<vmem>>) semaphore(%arg7 : memref<!tpu.dma_semaphore, #tpu.memory_space<semaphore_mem>>)
    %dma_start3A_12 = arith.constant 128 : i32
    %dma_start3A_13 = arith.constant 0 : i32
    %dma_start3A_14 = tpu.memref_slice %arg6[%dma_start3A_12, %dma_start3A_13] : memref<256x128xf32, #tpu.memory_space<vmem>> -> memref<128x128xf32, #tpu.memory_space<vmem>>
    %dma_start3A_15 = arith.constant 128 : i32
    %dma_start3A_16 = tpu.memref_slice %arg5[%dma_start3A_15] : memref<256xi32, #tpu.memory_space<vmem>> -> memref<128xi32, #tpu.memory_space<vmem>>
    %dma_start3A_17 = arith.constant 0 : i32
    %dma_start3A_18 = arith.constant 0 : i32
    %dma_start3A_19 = tpu.memref_slice %arg2[%dma_start3A_17, %dma_start3A_18] : memref<50001x128xf32, #tpu.memory_space<hbm>> -> memref<50001x128xf32, #tpu.memory_space<hbm>>
    tpu.enqueue_indirect_dma source(%dma_start3A_19 : memref<50001x128xf32, #tpu.memory_space<hbm>>) target(%dma_start3A_14 : memref<128x128xf32, #tpu.memory_space<vmem>>) offsets(%dma_start3A_16 : memref<128xi32, #tpu.memory_space<vmem>>) semaphore(%arg7 : memref<!tpu.dma_semaphore, #tpu.memory_space<semaphore_mem>>)
    %dma_wait3A = arith.constant 0 : i32
    %dma_wait3A_20 = arith.constant 0 : i32
    %dma_wait3A_21 = tpu.memref_slice %arg6[%dma_wait3A, %dma_wait3A_20] : memref<256x128xf32, #tpu.memory_space<vmem>> -> memref<128x128xf32, #tpu.memory_space<vmem>>
    %dma_wait3A_22 = arith.constant 0 : i32
    %dma_wait3A_23 = tpu.memref_slice %arg5[%dma_wait3A_22] : memref<256xi32, #tpu.memory_space<vmem>> -> memref<128xi32, #tpu.memory_space<vmem>>
    %dma_wait3A_24 = arith.constant 0 : i32
    %dma_wait3A_25 = arith.constant 0 : i32
    %dma_wait3A_26 = tpu.memref_slice %arg2[%dma_wait3A_24, %dma_wait3A_25] : memref<50001x128xf32, #tpu.memory_space<hbm>> -> memref<50001x128xf32, #tpu.memory_space<hbm>>
    tpu.wait_indirect_dma semaphore(%arg7 : memref<!tpu.dma_semaphore, #tpu.memory_space<semaphore_mem>>) src(%dma_wait3A_26 : memref<50001x128xf32, #tpu.memory_space<hbm>>) dst(%dma_wait3A_21 : memref<128x128xf32, #tpu.memory_space<vmem>>)
    %dma_wait3A_27 = arith.constant 128 : i32
    %dma_wait3A_28 = arith.constant 0 : i32
    %dma_wait3A_29 = tpu.memref_slice %arg6[%dma_wait3A_27, %dma_wait3A_28] : memref<256x128xf32, #tpu.memory_space<vmem>> -> memref<128x128xf32, #tpu.memory_space<vmem>>
    %dma_wait3A_30 = arith.constant 128 : i32
    %dma_wait3A_31 = tpu.memref_slice %arg5[%dma_wait3A_30] : memref<256xi32, #tpu.memory_space<vmem>> -> memref<128xi32, #tpu.memory_space<vmem>>
    %dma_wait3A_32 = arith.constant 0 : i32
    %dma_wait3A_33 = arith.constant 0 : i32
    %dma_wait3A_34 = tpu.memref_slice %arg2[%dma_wait3A_32, %dma_wait3A_33] : memref<50001x128xf32, #tpu.memory_space<hbm>> -> memref<50001x128xf32, #tpu.memory_space<hbm>>
    tpu.wait_indirect_dma semaphore(%arg7 : memref<!tpu.dma_semaphore, #tpu.memory_space<semaphore_mem>>) src(%dma_wait3A_34 : memref<50001x128xf32, #tpu.memory_space<hbm>>) dst(%dma_wait3A_29 : memref<128x128xf32, #tpu.memory_space<vmem>>)
    %mul3A_35 = arith.constant 256 : i32
    %mul3A_36 = arith.muli %add3A, %mul3A_35 : i32
    "tpu.region"() ({
      %run_scoped3A = tpu.sem_alloc : memref<!tpu.dma_semaphore, #tpu.memory_space<semaphore_mem>>
      %dma_start3A_37 = arith.constant 0 : i32
      %dma_start3A_38 = tpu.memref_slice %arg4[%mul3A_36, %dma_start3A_37] : memref<8192x128xf32, #tpu.memory_space<hbm>> -> memref<256x128xf32, #tpu.memory_space<hbm>>
      %dma_start3A_39 = arith.constant 0 : i32
      %dma_start3A_40 = tpu.memref_slice %arg4[%mul3A_36, %dma_start3A_39] : memref<8192x128xf32, #tpu.memory_space<hbm>> -> memref<256x128xf32, #tpu.memory_space<hbm>>
      tpu.enqueue_dma source(%arg6 : memref<256x128xf32, #tpu.memory_space<vmem>>) target(%dma_start3A_40 : memref<256x128xf32, #tpu.memory_space<hbm>>) target_semaphore(%run_scoped3A : memref<!tpu.dma_semaphore, #tpu.memory_space<semaphore_mem>>)
      %dma_wait3A_41 = arith.constant 0 : i32
      %dma_wait3A_42 = tpu.memref_slice %arg4[%mul3A_36, %dma_wait3A_41] : memref<8192x128xf32, #tpu.memory_space<hbm>> -> memref<256x128xf32, #tpu.memory_space<hbm>>
      %dma_wait3A_43 = arith.constant 0 : i32
      %dma_wait3A_44 = tpu.memref_slice %arg4[%mul3A_36, %dma_wait3A_43] : memref<8192x128xf32, #tpu.memory_space<hbm>> -> memref<256x128xf32, #tpu.memory_space<hbm>>
      tpu.wait_dma2 semaphore(%run_scoped3A : memref<!tpu.dma_semaphore, #tpu.memory_space<semaphore_mem>>) src(%arg6 : memref<256x128xf32, #tpu.memory_space<vmem>>) dst(%dma_wait3A_44 : memref<256x128xf32, #tpu.memory_space<hbm>>)
      tpu.yield
    }) : () -> ()
    return
  }
}

#map = affine_map<(d0, d1) -> (0, 0)>
#map1 = affine_map<(d0, d1) -> (0)>
module attributes {stable_mosaic.version = 14 : i64} {
  func.func @gk(%arg0: i32, %arg1: i32, %arg2: memref<50001x128xf32, #tpu.memory_space<hbm>>, %arg3: memref<16384xi32, #tpu.memory_space<hbm>>, %arg4: memref<8xi32, #tpu.memory_space<hbm>>, %arg5: memref<8192x128xf32, #tpu.memory_space<hbm>>, %arg6: memref<8x128xf32, #tpu.memory_space<hbm>>, %arg7: memref<256xi32, #tpu.memory_space<vmem>>, %arg8: memref<256x128xf32, #tpu.memory_space<vmem>>, %arg9: memref<!tpu.dma_semaphore, #tpu.memory_space<semaphore_mem>>, %arg10: memref<8xi32, #tpu.memory_space<vmem>>, %arg11: memref<8x128xf32, #tpu.memory_space<vmem>>, %arg12: memref<!tpu.dma_semaphore, #tpu.memory_space<semaphore_mem>>) attributes {dimension_semantics = [#tpu.dimension_semantics<core_parallel>, #tpu.dimension_semantics<subcore_parallel>], iteration_bounds = array<i64: 2, 16>, scalar_prefetch = 0 : i64, scratch_operands = 6 : i64, tpu.core_type = #tpu.core_type<sc_vector_subcore>, window_params = [{transform_indices = #map}, {transform_indices = #map1}, {transform_indices = #map1}, {transform_indices = #map}, {transform_indices = #map}]} {
    %mul3A = arith.constant 2 : i32
    %mul3A_0 = arith.muli %arg1, %mul3A : i32
    %add3A = arith.addi %mul3A_0, %arg0 : i32
    %mul3A_1 = arith.constant 256 : i32
    %mul3A_2 = arith.muli %add3A, %mul3A_1 : i32
    %add3A_3 = arith.constant 0 : i32
    %add3A_4 = arith.addi %add3A_3, %mul3A_2 : i32
    "tpu.region"() ({
      %run_scoped3A = tpu.sem_alloc : memref<!tpu.dma_semaphore, #tpu.memory_space<semaphore_mem>>
      %dma_start3A_39 = tpu.memref_slice %arg3[%add3A_4] : memref<16384xi32, #tpu.memory_space<hbm>> -> memref<256xi32, #tpu.memory_space<hbm>>
      %dma_start3A_40 = tpu.memref_slice %arg3[%add3A_4] : memref<16384xi32, #tpu.memory_space<hbm>> -> memref<256xi32, #tpu.memory_space<hbm>>
      tpu.enqueue_dma source(%dma_start3A_40 : memref<256xi32, #tpu.memory_space<hbm>>) target(%arg7 : memref<256xi32, #tpu.memory_space<vmem>>) target_semaphore(%run_scoped3A : memref<!tpu.dma_semaphore, #tpu.memory_space<semaphore_mem>>)
      %dma_wait3A_41 = tpu.memref_slice %arg3[%add3A_4] : memref<16384xi32, #tpu.memory_space<hbm>> -> memref<256xi32, #tpu.memory_space<hbm>>
      %dma_wait3A_42 = tpu.memref_slice %arg3[%add3A_4] : memref<16384xi32, #tpu.memory_space<hbm>> -> memref<256xi32, #tpu.memory_space<hbm>>
      tpu.wait_dma2 semaphore(%run_scoped3A : memref<!tpu.dma_semaphore, #tpu.memory_space<semaphore_mem>>) src(%dma_wait3A_42 : memref<256xi32, #tpu.memory_space<hbm>>) dst(%arg7 : memref<256xi32, #tpu.memory_space<vmem>>)
      tpu.yield
    }) : () -> ()
    %dma_start3A = arith.constant 0 : i32
    %dma_start3A_5 = arith.constant 0 : i32
    %dma_start3A_6 = tpu.memref_slice %arg8[%dma_start3A, %dma_start3A_5] : memref<256x128xf32, #tpu.memory_space<vmem>> -> memref<128x128xf32, #tpu.memory_space<vmem>>
    %dma_start3A_7 = arith.constant 0 : i32
    %dma_start3A_8 = tpu.memref_slice %arg7[%dma_start3A_7] : memref<256xi32, #tpu.memory_space<vmem>> -> memref<128xi32, #tpu.memory_space<vmem>>
    %dma_start3A_9 = arith.constant 0 : i32
    %dma_start3A_10 = arith.constant 0 : i32
    %dma_start3A_11 = tpu.memref_slice %arg2[%dma_start3A_9, %dma_start3A_10] : memref<50001x128xf32, #tpu.memory_space<hbm>> -> memref<50001x128xf32, #tpu.memory_space<hbm>>
    tpu.enqueue_indirect_dma source(%dma_start3A_11 : memref<50001x128xf32, #tpu.memory_space<hbm>>) target(%dma_start3A_6 : memref<128x128xf32, #tpu.memory_space<vmem>>) offsets(%dma_start3A_8 : memref<128xi32, #tpu.memory_space<vmem>>) semaphore(%arg9 : memref<!tpu.dma_semaphore, #tpu.memory_space<semaphore_mem>>)
    %dma_start3A_12 = arith.constant 128 : i32
    %dma_start3A_13 = arith.constant 0 : i32
    %dma_start3A_14 = tpu.memref_slice %arg8[%dma_start3A_12, %dma_start3A_13] : memref<256x128xf32, #tpu.memory_space<vmem>> -> memref<128x128xf32, #tpu.memory_space<vmem>>
    %dma_start3A_15 = arith.constant 128 : i32
    %dma_start3A_16 = tpu.memref_slice %arg7[%dma_start3A_15] : memref<256xi32, #tpu.memory_space<vmem>> -> memref<128xi32, #tpu.memory_space<vmem>>
    %dma_start3A_17 = arith.constant 0 : i32
    %dma_start3A_18 = arith.constant 0 : i32
    %dma_start3A_19 = tpu.memref_slice %arg2[%dma_start3A_17, %dma_start3A_18] : memref<50001x128xf32, #tpu.memory_space<hbm>> -> memref<50001x128xf32, #tpu.memory_space<hbm>>
    tpu.enqueue_indirect_dma source(%dma_start3A_19 : memref<50001x128xf32, #tpu.memory_space<hbm>>) target(%dma_start3A_14 : memref<128x128xf32, #tpu.memory_space<vmem>>) offsets(%dma_start3A_16 : memref<128xi32, #tpu.memory_space<vmem>>) semaphore(%arg9 : memref<!tpu.dma_semaphore, #tpu.memory_space<semaphore_mem>>)
    %eq3A = arith.constant 0 : i32
    %eq3A_20 = arith.cmpi eq, %add3A, %eq3A : i32
    %convert_element_type3A = arith.extui %eq3A_20 : i1 to i32
    %cond3A = arith.constant 0 : i32
    %cond3A_21 = arith.cmpi ne, %convert_element_type3A, %cond3A : i32
    scf.if %cond3A_21 {
      "tpu.region"() ({
        %run_scoped3A = tpu.sem_alloc : memref<!tpu.dma_semaphore, #tpu.memory_space<semaphore_mem>>
        tpu.enqueue_dma source(%arg4 : memref<8xi32, #tpu.memory_space<hbm>>) target(%arg10 : memref<8xi32, #tpu.memory_space<vmem>>) target_semaphore(%run_scoped3A : memref<!tpu.dma_semaphore, #tpu.memory_space<semaphore_mem>>)
        tpu.wait_dma2 semaphore(%run_scoped3A : memref<!tpu.dma_semaphore, #tpu.memory_space<semaphore_mem>>) src(%arg4 : memref<8xi32, #tpu.memory_space<hbm>>) dst(%arg10 : memref<8xi32, #tpu.memory_space<vmem>>)
        tpu.yield
      }) : () -> ()
      %dma_start3A_39 = arith.constant 0 : i32
      %dma_start3A_40 = arith.constant 0 : i32
      %dma_start3A_41 = tpu.memref_slice %arg2[%dma_start3A_39, %dma_start3A_40] : memref<50001x128xf32, #tpu.memory_space<hbm>> -> memref<50001x128xf32, #tpu.memory_space<hbm>>
      tpu.enqueue_indirect_dma source(%dma_start3A_41 : memref<50001x128xf32, #tpu.memory_space<hbm>>) target(%arg11 : memref<8x128xf32, #tpu.memory_space<vmem>>) offsets(%arg10 : memref<8xi32, #tpu.memory_space<vmem>>) semaphore(%arg12 : memref<!tpu.dma_semaphore, #tpu.memory_space<semaphore_mem>>)
      %dma_wait3A_42 = arith.constant 0 : i32
      %dma_wait3A_43 = arith.constant 0 : i32
      %dma_wait3A_44 = tpu.memref_slice %arg2[%dma_wait3A_42, %dma_wait3A_43] : memref<50001x128xf32, #tpu.memory_space<hbm>> -> memref<50001x128xf32, #tpu.memory_space<hbm>>
      tpu.wait_indirect_dma semaphore(%arg12 : memref<!tpu.dma_semaphore, #tpu.memory_space<semaphore_mem>>) src(%dma_wait3A_44 : memref<50001x128xf32, #tpu.memory_space<hbm>>) dst(%arg11 : memref<8x128xf32, #tpu.memory_space<vmem>>)
      "tpu.region"() ({
        %run_scoped3A = tpu.sem_alloc : memref<!tpu.dma_semaphore, #tpu.memory_space<semaphore_mem>>
        tpu.enqueue_dma source(%arg11 : memref<8x128xf32, #tpu.memory_space<vmem>>) target(%arg6 : memref<8x128xf32, #tpu.memory_space<hbm>>) target_semaphore(%run_scoped3A : memref<!tpu.dma_semaphore, #tpu.memory_space<semaphore_mem>>)
        tpu.wait_dma2 semaphore(%run_scoped3A : memref<!tpu.dma_semaphore, #tpu.memory_space<semaphore_mem>>) src(%arg11 : memref<8x128xf32, #tpu.memory_space<vmem>>) dst(%arg6 : memref<8x128xf32, #tpu.memory_space<hbm>>)
        tpu.yield
      }) : () -> ()
    } else {
    }
    %dma_wait3A = arith.constant 0 : i32
    %dma_wait3A_22 = arith.constant 0 : i32
    %dma_wait3A_23 = tpu.memref_slice %arg8[%dma_wait3A, %dma_wait3A_22] : memref<256x128xf32, #tpu.memory_space<vmem>> -> memref<128x128xf32, #tpu.memory_space<vmem>>
    %dma_wait3A_24 = arith.constant 0 : i32
    %dma_wait3A_25 = tpu.memref_slice %arg7[%dma_wait3A_24] : memref<256xi32, #tpu.memory_space<vmem>> -> memref<128xi32, #tpu.memory_space<vmem>>
    %dma_wait3A_26 = arith.constant 0 : i32
    %dma_wait3A_27 = arith.constant 0 : i32
    %dma_wait3A_28 = tpu.memref_slice %arg2[%dma_wait3A_26, %dma_wait3A_27] : memref<50001x128xf32, #tpu.memory_space<hbm>> -> memref<50001x128xf32, #tpu.memory_space<hbm>>
    tpu.wait_indirect_dma semaphore(%arg9 : memref<!tpu.dma_semaphore, #tpu.memory_space<semaphore_mem>>) src(%dma_wait3A_28 : memref<50001x128xf32, #tpu.memory_space<hbm>>) dst(%dma_wait3A_23 : memref<128x128xf32, #tpu.memory_space<vmem>>)
    %dma_wait3A_29 = arith.constant 128 : i32
    %dma_wait3A_30 = arith.constant 0 : i32
    %dma_wait3A_31 = tpu.memref_slice %arg8[%dma_wait3A_29, %dma_wait3A_30] : memref<256x128xf32, #tpu.memory_space<vmem>> -> memref<128x128xf32, #tpu.memory_space<vmem>>
    %dma_wait3A_32 = arith.constant 128 : i32
    %dma_wait3A_33 = tpu.memref_slice %arg7[%dma_wait3A_32] : memref<256xi32, #tpu.memory_space<vmem>> -> memref<128xi32, #tpu.memory_space<vmem>>
    %dma_wait3A_34 = arith.constant 0 : i32
    %dma_wait3A_35 = arith.constant 0 : i32
    %dma_wait3A_36 = tpu.memref_slice %arg2[%dma_wait3A_34, %dma_wait3A_35] : memref<50001x128xf32, #tpu.memory_space<hbm>> -> memref<50001x128xf32, #tpu.memory_space<hbm>>
    tpu.wait_indirect_dma semaphore(%arg9 : memref<!tpu.dma_semaphore, #tpu.memory_space<semaphore_mem>>) src(%dma_wait3A_36 : memref<50001x128xf32, #tpu.memory_space<hbm>>) dst(%dma_wait3A_31 : memref<128x128xf32, #tpu.memory_space<vmem>>)
    %mul3A_37 = arith.constant 256 : i32
    %mul3A_38 = arith.muli %add3A, %mul3A_37 : i32
    "tpu.region"() ({
      %run_scoped3A = tpu.sem_alloc : memref<!tpu.dma_semaphore, #tpu.memory_space<semaphore_mem>>
      %dma_start3A_39 = arith.constant 0 : i32
      %dma_start3A_40 = tpu.memref_slice %arg5[%mul3A_38, %dma_start3A_39] : memref<8192x128xf32, #tpu.memory_space<hbm>> -> memref<256x128xf32, #tpu.memory_space<hbm>>
      %dma_start3A_41 = arith.constant 0 : i32
      %dma_start3A_42 = tpu.memref_slice %arg5[%mul3A_38, %dma_start3A_41] : memref<8192x128xf32, #tpu.memory_space<hbm>> -> memref<256x128xf32, #tpu.memory_space<hbm>>
      tpu.enqueue_dma source(%arg8 : memref<256x128xf32, #tpu.memory_space<vmem>>) target(%dma_start3A_42 : memref<256x128xf32, #tpu.memory_space<hbm>>) target_semaphore(%run_scoped3A : memref<!tpu.dma_semaphore, #tpu.memory_space<semaphore_mem>>)
      %dma_wait3A_43 = arith.constant 0 : i32
      %dma_wait3A_44 = tpu.memref_slice %arg5[%mul3A_38, %dma_wait3A_43] : memref<8192x128xf32, #tpu.memory_space<hbm>> -> memref<256x128xf32, #tpu.memory_space<hbm>>
      %dma_wait3A_45 = arith.constant 0 : i32
      %dma_wait3A_46 = tpu.memref_slice %arg5[%mul3A_38, %dma_wait3A_45] : memref<8192x128xf32, #tpu.memory_space<hbm>> -> memref<256x128xf32, #tpu.memory_space<hbm>>
      tpu.wait_dma2 semaphore(%run_scoped3A : memref<!tpu.dma_semaphore, #tpu.memory_space<semaphore_mem>>) src(%arg8 : memref<256x128xf32, #tpu.memory_space<vmem>>) dst(%dma_wait3A_46 : memref<256x128xf32, #tpu.memory_space<hbm>>)
      tpu.yield
    }) : () -> ()
    return
  }
}

module attributes {stable_mosaic.version = 14 : i64} {
  func.func @_mlp_kernel(%arg0: i32, %arg1: memref<4096x128xf32, #tpu.memory_space<vmem>>, %arg2: memref<4096x1xf32, #tpu.memory_space<vmem>>, %arg3: memref<128x64xf32, #tpu.memory_space<vmem>>, %arg4: memref<64x16xf32, #tpu.memory_space<vmem>>, %arg5: memref<305x512xf32, #tpu.memory_space<vmem>>, %arg6: memref<1x512xf32, #tpu.memory_space<vmem>>, %arg7: memref<512x32xf32, #tpu.memory_space<vmem>>, %arg8: memref<1x32xf32, #tpu.memory_space<vmem>>, %arg9: memref<1x32xf32, #tpu.memory_space<vmem>>, %arg10: memref<1x1xf32, #tpu.memory_space<vmem>>, %arg11: memref<8x128xf32, #tpu.memory_space<vmem>>, %arg12: memref<1x128xf32, #tpu.memory_space<vmem>>, %arg13: memref<1x128xf32, #tpu.memory_space<vmem>>, %arg14: memref<1x128xf32, #tpu.memory_space<vmem>>, %arg15: memref<4x1x1024xf32, #tpu.memory_space<vmem>>, %arg16: memref<1x32xf32, #tpu.memory_space<vmem>>) attributes {dimension_semantics = [#tpu.dimension_semantics<arbitrary>], iteration_bounds = array<i64: 2>, scalar_prefetch = 0 : i64, scratch_operands = 1 : i64, tpu.core_type = #tpu.core_type<tc>, window_params = [{transform_indices = @transform_0, window_bounds = array<i64: 4096, 128>}, {transform_indices = @transform_1, window_bounds = array<i64: 4096, 1>}, {pipeline_mode = #tpu.pipeline_mode<synchronous>, transform_indices = @transform_2, window_bounds = array<i64: 128, 64>}, {pipeline_mode = #tpu.pipeline_mode<synchronous>, transform_indices = @transform_3, window_bounds = array<i64: 64, 16>}, {pipeline_mode = #tpu.pipeline_mode<synchronous>, transform_indices = @transform_4, window_bounds = array<i64: 305, 512>}, {pipeline_mode = #tpu.pipeline_mode<synchronous>, transform_indices = @transform_5, window_bounds = array<i64: 1, 512>}, {pipeline_mode = #tpu.pipeline_mode<synchronous>, transform_indices = @transform_6, window_bounds = array<i64: 512, 32>}, {pipeline_mode = #tpu.pipeline_mode<synchronous>, transform_indices = @transform_7, window_bounds = array<i64: 1, 32>}, {pipeline_mode = #tpu.pipeline_mode<synchronous>, transform_indices = @transform_8, window_bounds = array<i64: 1, 32>}, {pipeline_mode = #tpu.pipeline_mode<synchronous>, transform_indices = @transform_9, window_bounds = array<i64: 1, 1>}, {pipeline_mode = #tpu.pipeline_mode<synchronous>, transform_indices = @transform_10, window_bounds = array<i64: 8, 128>}, {pipeline_mode = #tpu.pipeline_mode<synchronous>, transform_indices = @transform_11, window_bounds = array<i64: 1, 128>}, {pipeline_mode = #tpu.pipeline_mode<synchronous>, transform_indices = @transform_12, window_bounds = array<i64: 1, 128>}, {pipeline_mode = #tpu.pipeline_mode<synchronous>, transform_indices = @transform_13, window_bounds = array<i64: 1, 128>}, {transform_indices = @transform_14, window_bounds = array<i64: 4, 1, 1024>}]} {
    %eq3A = arith.constant 0 : i32
    %eq3A_0 = arith.cmpi eq, %arg0, %eq3A : i32
    %convert_element_type3A = arith.extui %eq3A_0 : i1 to i32
    %cond3A = arith.constant 0 : i32
    %cond3A_1 = arith.cmpi ne, %convert_element_type3A, %cond3A : i32
    scf.if %cond3A_1 {
      %get3A_131 = arith.constant 0 : index
      %get3A_132 = arith.constant 0 : index
      %get3A_133 = vector.load %arg11[%get3A_131, %get3A_132] : memref<8x128xf32, #tpu.memory_space<vmem>>, vector<1x128xf32>
      %get3A_134 = arith.constant 0 : index
      %get3A_135 = arith.constant 0 : index
      %get3A_136 = vector.load %arg3[%get3A_134, %get3A_135] : memref<128x64xf32, #tpu.memory_space<vmem>>, vector<128x64xf32>
      %dot_general3A_137 = arith.constant dense<0.000000e+00> : vector<1x64xf32>
      %dot_general3A_138 = tpu.matmul %get3A_133, %get3A_136, %dot_general3A_137 {dimension_numbers = #tpu.dot_dimension_numbers<[1], [0], [0], [1], [0, 0, 1, 1], [], []>, transpose_lhs_hint = false} : vector<1x128xf32>, vector<128x64xf32>, vector<1x64xf32> -> vector<1x64xf32>
      %get3A_139 = arith.constant 0 : index
      %get3A_140 = arith.constant 0 : index
      %get3A_141 = vector.load %arg4[%get3A_139, %get3A_140] : memref<64x16xf32, #tpu.memory_space<vmem>>, vector<64x16xf32>
      %dot_general3A_142 = arith.constant dense<0.000000e+00> : vector<1x16xf32>
      %dot_general3A_143 = tpu.matmul %dot_general3A_138, %get3A_141, %dot_general3A_142 {dimension_numbers = #tpu.dot_dimension_numbers<[1], [0], [0], [1], [0, 0, 1, 1], [], []>, transpose_lhs_hint = false} : vector<1x64xf32>, vector<64x16xf32>, vector<1x16xf32> -> vector<1x16xf32>
      %swap3A_144 = arith.constant 0 : index
      %swap3A_145 = arith.constant 0 : index
      %swap3A_146 = vector.load %arg16[%swap3A_144, %swap3A_145] : memref<1x32xf32, #tpu.memory_space<vmem>>, vector<1x16xf32>
      tpu.vector_store %arg16[%swap3A_144, %swap3A_145], %dot_general3A_143 {strides = array<i32>} : memref<1x32xf32, #tpu.memory_space<vmem>>, vector<1x16xf32>,
      %get3A_147 = arith.constant 0 : index
      %get3A_148 = arith.constant 0 : index
      %get3A_149 = vector.load %arg12[%get3A_147, %get3A_148] : memref<1x128xf32, #tpu.memory_space<vmem>>, vector<1x128xf32>
      %get3A_150 = arith.constant 0 : index
      %get3A_151 = arith.constant 0 : index
      %get3A_152 = vector.load %arg3[%get3A_150, %get3A_151] : memref<128x64xf32, #tpu.memory_space<vmem>>, vector<128x64xf32>
      %dot_general3A_153 = arith.constant dense<0.000000e+00> : vector<1x64xf32>
      %dot_general3A_154 = tpu.matmul %get3A_149, %get3A_152, %dot_general3A_153 {dimension_numbers = #tpu.dot_dimension_numbers<[1], [0], [0], [1], [0, 0, 1, 1], [], []>, transpose_lhs_hint = false} : vector<1x128xf32>, vector<128x64xf32>, vector<1x64xf32> -> vector<1x64xf32>
      %get3A_155 = arith.constant 0 : index
      %get3A_156 = arith.constant 0 : index
      %get3A_157 = vector.load %arg4[%get3A_155, %get3A_156] : memref<64x16xf32, #tpu.memory_space<vmem>>, vector<64x16xf32>
      %dot_general3A_158 = arith.constant dense<0.000000e+00> : vector<1x16xf32>
      %dot_general3A_159 = tpu.matmul %dot_general3A_154, %get3A_157, %dot_general3A_158 {dimension_numbers = #tpu.dot_dimension_numbers<[1], [0], [0], [1], [0, 0, 1, 1], [], []>, transpose_lhs_hint = false} : vector<1x64xf32>, vector<64x16xf32>, vector<1x16xf32> -> vector<1x16xf32>
      %swap3A_160 = arith.constant 0 : index
      %swap3A_161 = arith.constant 16 : index
      %swap3A_162 = vector.load %arg16[%swap3A_160, %swap3A_161] : memref<1x32xf32, #tpu.memory_space<vmem>>, vector<1x16xf32>
      tpu.vector_store %arg16[%swap3A_160, %swap3A_161], %dot_general3A_159 {strides = array<i32>} : memref<1x32xf32, #tpu.memory_space<vmem>>, vector<1x16xf32>,
    } else {
    }
    %get3A = arith.constant 0 : index
    %get3A_2 = arith.constant 0 : index
    %get3A_3 = vector.load %arg1[%get3A, %get3A_2] : memref<4096x128xf32, #tpu.memory_space<vmem>>, vector<4096x128xf32>
    %get3A_4 = arith.constant 0 : index
    %get3A_5 = arith.constant 0 : index
    %get3A_6 = vector.load %arg3[%get3A_4, %get3A_5] : memref<128x64xf32, #tpu.memory_space<vmem>>, vector<128x64xf32>
    %dot_general3A = arith.constant dense<0.000000e+00> : vector<4096x64xf32>
    %dot_general3A_7 = tpu.matmul %get3A_3, %get3A_6, %dot_general3A {dimension_numbers = #tpu.dot_dimension_numbers<[1], [0], [0], [1], [0, 0, 1, 1], [], []>, transpose_lhs_hint = false} : vector<4096x128xf32>, vector<128x64xf32>, vector<4096x64xf32> -> vector<4096x64xf32>
    %get3A_8 = arith.constant 0 : index
    %get3A_9 = arith.constant 0 : index
    %get3A_10 = vector.load %arg4[%get3A_8, %get3A_9] : memref<64x16xf32, #tpu.memory_space<vmem>>, vector<64x16xf32>
    %dot_general3A_11 = arith.constant dense<0.000000e+00> : vector<4096x16xf32>
    %dot_general3A_12 = tpu.matmul %dot_general3A_7, %get3A_10, %dot_general3A_11 {dimension_numbers = #tpu.dot_dimension_numbers<[1], [0], [0], [1], [0, 0, 1, 1], [], []>, transpose_lhs_hint = false} : vector<4096x64xf32>, vector<64x16xf32>, vector<4096x16xf32> -> vector<4096x16xf32>
    %get3A_13 = arith.constant 0 : index
    %get3A_14 = arith.constant 0 : index
    %get3A_15 = vector.load %arg16[%get3A_13, %get3A_14] : memref<1x32xf32, #tpu.memory_space<vmem>>, vector<1x16xf32>
    %broadcast_in_dim3A = vector.shape_cast %get3A_15 : vector<1x16xf32> to vector<1x16xf32>
    %broadcast_in_dim3A_16 = vector.broadcast %broadcast_in_dim3A : vector<1x16xf32> to vector<4096x16xf32>
    %get3A_17 = arith.constant 0 : index
    %get3A_18 = arith.constant 16 : index
    %get3A_19 = vector.load %arg16[%get3A_17, %get3A_18] : memref<1x32xf32, #tpu.memory_space<vmem>>, vector<1x16xf32>
    %broadcast_in_dim3A_20 = vector.shape_cast %get3A_19 : vector<1x16xf32> to vector<1x16xf32>
    %broadcast_in_dim3A_21 = vector.broadcast %broadcast_in_dim3A_20 : vector<1x16xf32> to vector<4096x16xf32>
    %get3A_22 = arith.constant 0 : index
    %get3A_23 = arith.constant 0 : index
    %get3A_24 = vector.load %arg2[%get3A_22, %get3A_23] : memref<4096x1xf32, #tpu.memory_space<vmem>>, vector<4096x1xf32>
    %get3A_25 = arith.constant 0 : index
    %get3A_26 = arith.constant 0 : index
    %get3A_27 = vector.load %arg13[%get3A_25, %get3A_26] : memref<1x128xf32, #tpu.memory_space<vmem>>, vector<1x128xf32>
    %broadcast_in_dim3A_28 = vector.shape_cast %get3A_27 : vector<1x128xf32> to vector<1x128xf32>
    %broadcast_in_dim3A_29 = vector.broadcast %broadcast_in_dim3A_28 : vector<1x128xf32> to vector<4096x128xf32>
    %get3A_30 = arith.constant 0 : index
    %get3A_31 = arith.constant 0 : index
    %get3A_32 = vector.load %arg14[%get3A_30, %get3A_31] : memref<1x128xf32, #tpu.memory_space<vmem>>, vector<1x128xf32>
    %broadcast_in_dim3A_33 = vector.shape_cast %get3A_32 : vector<1x128xf32> to vector<1x128xf32>
    %broadcast_in_dim3A_34 = vector.broadcast %broadcast_in_dim3A_33 : vector<1x128xf32> to vector<4096x128xf32>
    %concatenate3A = tpu.concatenate %broadcast_in_dim3A_16, %dot_general3A_12, %broadcast_in_dim3A_21, %get3A_24, %broadcast_in_dim3A_29, %broadcast_in_dim3A_34 in 1 : vector<4096x16xf32>, vector<4096x16xf32>, vector<4096x16xf32>, vector<4096x1xf32>, vector<4096x128xf32>, vector<4096x128xf32> -> vector<4096x305xf32>
    %get3A_35 = arith.constant 0 : index
    %get3A_36 = arith.constant 0 : index
    %get3A_37 = vector.load %arg5[%get3A_35, %get3A_36] : memref<305x512xf32, #tpu.memory_space<vmem>>, vector<305x512xf32>
    %dot_general3A_38 = arith.constant dense<0.000000e+00> : vector<4096x512xf32>
    %dot_general3A_39 = tpu.matmul %concatenate3A, %get3A_37, %dot_general3A_38 {dimension_numbers = #tpu.dot_dimension_numbers<[1], [0], [0], [1], [0, 0, 1, 1], [], []>, transpose_lhs_hint = false} : vector<4096x305xf32>, vector<305x512xf32>, vector<4096x512xf32> -> vector<4096x512xf32>
    %get3A_40 = arith.constant 0 : index
    %get3A_41 = arith.constant 0 : index
    %get3A_42 = vector.load %arg6[%get3A_40, %get3A_41] : memref<1x512xf32, #tpu.memory_space<vmem>>, vector<1x512xf32>
    %add3A = vector.broadcast %get3A_42 : vector<1x512xf32> to vector<4096x512xf32>
    %add3A_43 = arith.addf %dot_general3A_39, %add3A : vector<4096x512xf32>
    %ge3A = arith.constant 0.000000e+00 : f32
    %ge3A_44 = vector.broadcast %ge3A : f32 to vector<4096x512xf32>
    %ge3A_45 = arith.cmpf oge, %add3A_43, %ge3A_44 : vector<4096x512xf32>
    %mul3A = arith.constant 0.00999999977 : f32
    %mul3A_46 = vector.broadcast %mul3A : f32 to vector<4096x512xf32>
    %mul3A_47 = arith.mulf %mul3A_46, %add3A_43 : vector<4096x512xf32>
    %select_n3A = arith.select %ge3A_45, %add3A_43, %mul3A_47 : vector<4096x512xi1>, vector<4096x512xf32>
    %get3A_48 = arith.constant 0 : index
    %get3A_49 = arith.constant 0 : index
    %get3A_50 = vector.load %arg7[%get3A_48, %get3A_49] : memref<512x32xf32, #tpu.memory_space<vmem>>, vector<512x32xf32>
    %dot_general3A_51 = arith.constant dense<0.000000e+00> : vector<4096x32xf32>
    %dot_general3A_52 = tpu.matmul %select_n3A, %get3A_50, %dot_general3A_51 {dimension_numbers = #tpu.dot_dimension_numbers<[1], [0], [0], [1], [0, 0, 1, 1], [], []>, transpose_lhs_hint = false} : vector<4096x512xf32>, vector<512x32xf32>, vector<4096x32xf32> -> vector<4096x32xf32>
    %get3A_53 = arith.constant 0 : index
    %get3A_54 = arith.constant 0 : index
    %get3A_55 = vector.load %arg8[%get3A_53, %get3A_54] : memref<1x32xf32, #tpu.memory_space<vmem>>, vector<1x32xf32>
    %add3A_56 = vector.broadcast %get3A_55 : vector<1x32xf32> to vector<4096x32xf32>
    %add3A_57 = arith.addf %dot_general3A_52, %add3A_56 : vector<4096x32xf32>
    %ge3A_58 = arith.constant 0.000000e+00 : f32
    %ge3A_59 = vector.broadcast %ge3A_58 : f32 to vector<4096x32xf32>
    %ge3A_60 = arith.cmpf oge, %add3A_57, %ge3A_59 : vector<4096x32xf32>
    %mul3A_61 = arith.constant 0.00999999977 : f32
    %mul3A_62 = vector.broadcast %mul3A_61 : f32 to vector<4096x32xf32>
    %mul3A_63 = arith.mulf %mul3A_62, %add3A_57 : vector<4096x32xf32>
    %select_n3A_64 = arith.select %ge3A_60, %add3A_57, %mul3A_63 : vector<4096x32xi1>, vector<4096x32xf32>
    %transpose3A = tpu.transpose %select_n3A_64, [1, 0] : vector<4096x32xf32> -> vector<32x4096xf32>
    %get3A_65 = arith.constant 0 : index
    %get3A_66 = arith.constant 0 : index
    %get3A_67 = vector.load %arg9[%get3A_65, %get3A_66] : memref<1x32xf32, #tpu.memory_space<vmem>>, vector<1x32xf32>
    %slice3A = vector.extract_strided_slice %transpose3A {offsets = [0, 0], sizes = [32, 1024], strides = [1, 1]} : vector<32x4096xf32> to vector<32x1024xf32>
    %dot_general3A_68 = arith.constant dense<0.000000e+00> : vector<1x1024xf32>
    %dot_general3A_69 = tpu.matmul %get3A_67, %slice3A, %dot_general3A_68 {dimension_numbers = #tpu.dot_dimension_numbers<[1], [0], [0], [1], [0, 0, 1, 1], [], []>, transpose_lhs_hint = false} : vector<1x32xf32>, vector<32x1024xf32>, vector<1x1024xf32> -> vector<1x1024xf32>
    %get3A_70 = arith.constant 0 : index
    %get3A_71 = arith.constant 0 : index
    %get3A_72 = vector.load %arg10[%get3A_70, %get3A_71] : memref<1x1xf32, #tpu.memory_space<vmem>>, vector<1x1xf32>
    %add3A_73 = vector.broadcast %get3A_72 : vector<1x1xf32> to vector<1x1024xf32>
    %add3A_74 = arith.addf %dot_general3A_69, %add3A_73 : vector<1x1024xf32>
    %swap3A = arith.constant 0 : index
    %swap3A_75 = arith.constant 0 : index
    %swap3A_76 = arith.constant 0 : index
    %swap3A_77 = vector.load %arg15[%swap3A, %swap3A_75, %swap3A_76] : memref<4x1x1024xf32, #tpu.memory_space<vmem>>, vector<1x1x1024xf32>
    %swap3A_78 = vector.shape_cast %swap3A_77 : vector<1x1x1024xf32> to vector<1x1024xf32>
    %swap3A_79 = vector.shape_cast %add3A_74 : vector<1x1024xf32> to vector<1x1x1024xf32>
    tpu.vector_store %arg15[%swap3A, %swap3A_75, %swap3A_76], %swap3A_79 {strides = array<i32>} : memref<4x1x1024xf32, #tpu.memory_space<vmem>>, vector<1x1x1024xf32>,
    %get3A_80 = arith.constant 0 : index
    %get3A_81 = arith.constant 0 : index
    %get3A_82 = vector.load %arg9[%get3A_80, %get3A_81] : memref<1x32xf32, #tpu.memory_space<vmem>>, vector<1x32xf32>
    %slice3A_83 = vector.extract_strided_slice %transpose3A {offsets = [0, 1024], sizes = [32, 1024], strides = [1, 1]} : vector<32x4096xf32> to vector<32x1024xf32>
    %dot_general3A_84 = arith.constant dense<0.000000e+00> : vector<1x1024xf32>
    %dot_general3A_85 = tpu.matmul %get3A_82, %slice3A_83, %dot_general3A_84 {dimension_numbers = #tpu.dot_dimension_numbers<[1], [0], [0], [1], [0, 0, 1, 1], [], []>, transpose_lhs_hint = false} : vector<1x32xf32>, vector<32x1024xf32>, vector<1x1024xf32> -> vector<1x1024xf32>
    %get3A_86 = arith.constant 0 : index
    %get3A_87 = arith.constant 0 : index
    %get3A_88 = vector.load %arg10[%get3A_86, %get3A_87] : memref<1x1xf32, #tpu.memory_space<vmem>>, vector<1x1xf32>
    %add3A_89 = vector.broadcast %get3A_88 : vector<1x1xf32> to vector<1x1024xf32>
    %add3A_90 = arith.addf %dot_general3A_85, %add3A_89 : vector<1x1024xf32>
    %swap3A_91 = arith.constant 1 : index
    %swap3A_92 = arith.constant 0 : index
    %swap3A_93 = arith.constant 0 : index
    %swap3A_94 = vector.load %arg15[%swap3A_91, %swap3A_92, %swap3A_93] : memref<4x1x1024xf32, #tpu.memory_space<vmem>>, vector<1x1x1024xf32>
    %swap3A_95 = vector.shape_cast %swap3A_94 : vector<1x1x1024xf32> to vector<1x1024xf32>
    %swap3A_96 = vector.shape_cast %add3A_90 : vector<1x1024xf32> to vector<1x1x1024xf32>
    tpu.vector_store %arg15[%swap3A_91, %swap3A_92, %swap3A_93], %swap3A_96 {strides = array<i32>} : memref<4x1x1024xf32, #tpu.memory_space<vmem>>, vector<1x1x1024xf32>,
    %get3A_97 = arith.constant 0 : index
    %get3A_98 = arith.constant 0 : index
    %get3A_99 = vector.load %arg9[%get3A_97, %get3A_98] : memref<1x32xf32, #tpu.memory_space<vmem>>, vector<1x32xf32>
    %slice3A_100 = vector.extract_strided_slice %transpose3A {offsets = [0, 2048], sizes = [32, 1024], strides = [1, 1]} : vector<32x4096xf32> to vector<32x1024xf32>
    %dot_general3A_101 = arith.constant dense<0.000000e+00> : vector<1x1024xf32>
    %dot_general3A_102 = tpu.matmul %get3A_99, %slice3A_100, %dot_general3A_101 {dimension_numbers = #tpu.dot_dimension_numbers<[1], [0], [0], [1], [0, 0, 1, 1], [], []>, transpose_lhs_hint = false} : vector<1x32xf32>, vector<32x1024xf32>, vector<1x1024xf32> -> vector<1x1024xf32>
    %get3A_103 = arith.constant 0 : index
    %get3A_104 = arith.constant 0 : index
    %get3A_105 = vector.load %arg10[%get3A_103, %get3A_104] : memref<1x1xf32, #tpu.memory_space<vmem>>, vector<1x1xf32>
    %add3A_106 = vector.broadcast %get3A_105 : vector<1x1xf32> to vector<1x1024xf32>
    %add3A_107 = arith.addf %dot_general3A_102, %add3A_106 : vector<1x1024xf32>
    %swap3A_108 = arith.constant 2 : index
    %swap3A_109 = arith.constant 0 : index
    %swap3A_110 = arith.constant 0 : index
    %swap3A_111 = vector.load %arg15[%swap3A_108, %swap3A_109, %swap3A_110] : memref<4x1x1024xf32, #tpu.memory_space<vmem>>, vector<1x1x1024xf32>
    %swap3A_112 = vector.shape_cast %swap3A_111 : vector<1x1x1024xf32> to vector<1x1024xf32>
    %swap3A_113 = vector.shape_cast %add3A_107 : vector<1x1024xf32> to vector<1x1x1024xf32>
    tpu.vector_store %arg15[%swap3A_108, %swap3A_109, %swap3A_110], %swap3A_113 {strides = array<i32>} : memref<4x1x1024xf32, #tpu.memory_space<vmem>>, vector<1x1x1024xf32>,
    %get3A_114 = arith.constant 0 : index
    %get3A_115 = arith.constant 0 : index
    %get3A_116 = vector.load %arg9[%get3A_114, %get3A_115] : memref<1x32xf32, #tpu.memory_space<vmem>>, vector<1x32xf32>
    %slice3A_117 = vector.extract_strided_slice %transpose3A {offsets = [0, 3072], sizes = [32, 1024], strides = [1, 1]} : vector<32x4096xf32> to vector<32x1024xf32>
    %dot_general3A_118 = arith.constant dense<0.000000e+00> : vector<1x1024xf32>
    %dot_general3A_119 = tpu.matmul %get3A_116, %slice3A_117, %dot_general3A_118 {dimension_numbers = #tpu.dot_dimension_numbers<[1], [0], [0], [1], [0, 0, 1, 1], [], []>, transpose_lhs_hint = false} : vector<1x32xf32>, vector<32x1024xf32>, vector<1x1024xf32> -> vector<1x1024xf32>
    %get3A_120 = arith.constant 0 : index
    %get3A_121 = arith.constant 0 : index
    %get3A_122 = vector.load %arg10[%get3A_120, %get3A_121] : memref<1x1xf32, #tpu.memory_space<vmem>>, vector<1x1xf32>
    %add3A_123 = vector.broadcast %get3A_122 : vector<1x1xf32> to vector<1x1024xf32>
    %add3A_124 = arith.addf %dot_general3A_119, %add3A_123 : vector<1x1024xf32>
    %swap3A_125 = arith.constant 3 : index
    %swap3A_126 = arith.constant 0 : index
    %swap3A_127 = arith.constant 0 : index
    %swap3A_128 = vector.load %arg15[%swap3A_125, %swap3A_126, %swap3A_127] : memref<4x1x1024xf32, #tpu.memory_space<vmem>>, vector<1x1x1024xf32>
    %swap3A_129 = vector.shape_cast %swap3A_128 : vector<1x1x1024xf32> to vector<1x1024xf32>
    %swap3A_130 = vector.shape_cast %add3A_124 : vector<1x1024xf32> to vector<1x1x1024xf32>
    tpu.vector_store %arg15[%swap3A_125, %swap3A_126, %swap3A_127], %swap3A_130 {strides = array<i32>} : memref<4x1x1024xf32, #tpu.memory_space<vmem>>, vector<1x1x1024xf32>,
    return
  }
  func.func @transform_0(%arg0: i32) -> (i32, i32) {
    %c0_i32 = arith.constant 0 : i32
    %c0_i32_0 = arith.constant 0 : i32
    return %arg0, %c0_i32 : i32, i32
  }
  func.func @transform_1(%arg0: i32) -> (i32, i32) {
    %add3A = arith.constant 0 : i32
    %add3A_0 = arith.addi %arg0, %add3A : i32
    %c0_i32 = arith.constant 0 : i32
    %c0_i32_1 = arith.constant 0 : i32
    return %add3A_0, %c0_i32 : i32, i32
  }
  func.func @transform_2(%arg0: i32) -> (i32, i32) {
    %c0_i32 = arith.constant 0 : i32
    %c0_i32_0 = arith.constant 0 : i32
    %c0_i32_1 = arith.constant 0 : i32
    return %c0_i32, %c0_i32_0 : i32, i32
  }
  func.func @transform_3(%arg0: i32) -> (i32, i32) {
    %c0_i32 = arith.constant 0 : i32
    %c0_i32_0 = arith.constant 0 : i32
    %c0_i32_1 = arith.constant 0 : i32
    return %c0_i32, %c0_i32_0 : i32, i32
  }
  func.func @transform_4(%arg0: i32) -> (i32, i32) {
    %c0_i32 = arith.constant 0 : i32
    %c0_i32_0 = arith.constant 0 : i32
    %c0_i32_1 = arith.constant 0 : i32
    return %c0_i32, %c0_i32_0 : i32, i32
  }
  func.func @transform_5(%arg0: i32) -> (i32, i32) {
    %c0_i32 = arith.constant 0 : i32
    %c0_i32_0 = arith.constant 0 : i32
    %c0_i32_1 = arith.constant 0 : i32
    return %c0_i32, %c0_i32_0 : i32, i32
  }
  func.func @transform_6(%arg0: i32) -> (i32, i32) {
    %c0_i32 = arith.constant 0 : i32
    %c0_i32_0 = arith.constant 0 : i32
    %c0_i32_1 = arith.constant 0 : i32
    return %c0_i32, %c0_i32_0 : i32, i32
  }
  func.func @transform_7(%arg0: i32) -> (i32, i32) {
    %c0_i32 = arith.constant 0 : i32
    %c0_i32_0 = arith.constant 0 : i32
    %c0_i32_1 = arith.constant 0 : i32
    return %c0_i32, %c0_i32_0 : i32, i32
  }
  func.func @transform_8(%arg0: i32) -> (i32, i32) {
    %c0_i32 = arith.constant 0 : i32
    %c0_i32_0 = arith.constant 0 : i32
    %c0_i32_1 = arith.constant 0 : i32
    return %c0_i32, %c0_i32_0 : i32, i32
  }
  func.func @transform_9(%arg0: i32) -> (i32, i32) {
    %c0_i32 = arith.constant 0 : i32
    %c0_i32_0 = arith.constant 0 : i32
    %c0_i32_1 = arith.constant 0 : i32
    return %c0_i32, %c0_i32_0 : i32, i32
  }
  func.func @transform_10(%arg0: i32) -> (i32, i32) {
    %c0_i32 = arith.constant 0 : i32
    %c0_i32_0 = arith.constant 0 : i32
    %c0_i32_1 = arith.constant 0 : i32
    return %c0_i32, %c0_i32_0 : i32, i32
  }
  func.func @transform_11(%arg0: i32) -> (i32, i32) {
    %c0_i32 = arith.constant 0 : i32
    %c0_i32_0 = arith.constant 0 : i32
    %c0_i32_1 = arith.constant 0 : i32
    return %c0_i32, %c0_i32_0 : i32, i32
  }
  func.func @transform_12(%arg0: i32) -> (i32, i32) {
    %c0_i32 = arith.constant 0 : i32
    %c0_i32_0 = arith.constant 0 : i32
    %c0_i32_1 = arith.constant 0 : i32
    return %c0_i32, %c0_i32_0 : i32, i32
  }
  func.func @transform_13(%arg0: i32) -> (i32, i32) {
    %c0_i32 = arith.constant 0 : i32
    %c0_i32_0 = arith.constant 0 : i32
    %c0_i32_1 = arith.constant 0 : i32
    return %c0_i32, %c0_i32_0 : i32, i32
  }
  func.func @transform_14(%arg0: i32) -> (i32, i32, i32) {
    %c0_i32 = arith.constant 0 : i32
    %c0_i32_0 = arith.constant 0 : i32
    %c0_i32_1 = arith.constant 0 : i32
    return %arg0, %c0_i32, %c0_i32_0 : i32, i32, i32
  }
}

module attributes {stable_mosaic.version = 14 : i64} {
  func.func @_select_kernel(%arg0: memref<8x1x1024xf32, #tpu.memory_space<vmem>>, %arg1: memref<8x1x1024xf32, #tpu.memory_space<vmem>>, %arg2: memref<1x1xf32, #tpu.memory_space<smem>>, %arg3: memref<16x1024xf32, #tpu.memory_space<vmem>>) attributes {dimension_semantics = [], scalar_prefetch = 0 : i64, scratch_operands = 0 : i64, tpu.core_type = #tpu.core_type<tc>} {
    %get3A = arith.constant 0 : index
    %get3A_0 = arith.constant 0 : index
    %get3A_1 = arith.constant 0 : index
    %get3A_2 = vector.load %arg0[%get3A, %get3A_0, %get3A_1] : memref<8x1x1024xf32, #tpu.memory_space<vmem>>, vector<8x1x1024xf32>
    %reshape3A = vector.shape_cast %get3A_2 : vector<8x1x1024xf32> to vector<8x1024xf32>
    %get3A_3 = arith.constant 0 : index
    %get3A_4 = arith.constant 0 : index
    %get3A_5 = arith.constant 0 : index
    %get3A_6 = vector.load %arg1[%get3A_3, %get3A_4, %get3A_5] : memref<8x1x1024xf32, #tpu.memory_space<vmem>>, vector<8x1x1024xf32>
    %reshape3A_7 = vector.shape_cast %get3A_6 : vector<8x1x1024xf32> to vector<8x1024xf32>
    %reduce_max3A = vector.shape_cast %reshape3A : vector<8x1024xf32> to vector<1x8x1024xf32>
    %reduce_max3A_8 = arith.constant dense<0xFF800000> : vector<1xf32>
    %reduce_max3A_9 = vector.multi_reduction <maximumf>, %reduce_max3A, %reduce_max3A_8 [1, 2] : vector<1x8x1024xf32> to vector<1xf32>
    %reduce_max3A_10 = vector.shape_cast %reduce_max3A_9 : vector<1xf32> to vector<1x1x1xf32>
    %reduce_max3A_11 = vector.extract %reduce_max3A_10[0, 0, 0] : f32 from vector<1x1x1xf32>
    %reduce_max3A_12 = vector.shape_cast %reshape3A_7 : vector<8x1024xf32> to vector<1x8x1024xf32>
    %reduce_max3A_13 = arith.constant dense<0xFF800000> : vector<1xf32>
    %reduce_max3A_14 = vector.multi_reduction <maximumf>, %reduce_max3A_12, %reduce_max3A_13 [1, 2] : vector<1x8x1024xf32> to vector<1xf32>
    %reduce_max3A_15 = vector.shape_cast %reduce_max3A_14 : vector<1xf32> to vector<1x1x1xf32>
    %reduce_max3A_16 = vector.extract %reduce_max3A_15[0, 0, 0] : f32 from vector<1x1x1xf32>
    %max3A = arith.maximumf %reduce_max3A_11, %reduce_max3A_16 : f32
    %sub3A = vector.broadcast %max3A : f32 to vector<8x1024xf32>
    %sub3A_17 = arith.subf %reshape3A, %sub3A : vector<8x1024xf32>
    %exp3A = math.exp %sub3A_17 : vector<8x1024xf32>
    %sub3A_18 = vector.broadcast %max3A : f32 to vector<8x1024xf32>
    %sub3A_19 = arith.subf %reshape3A_7, %sub3A_18 : vector<8x1024xf32>
    %exp3A_20 = math.exp %sub3A_19 : vector<8x1024xf32>
    %reduce_sum3A = vector.shape_cast %exp3A : vector<8x1024xf32> to vector<1x8x1024xf32>
    %reduce_sum3A_21 = arith.constant dense<0.000000e+00> : vector<1xf32>
    %reduce_sum3A_22 = vector.multi_reduction <add>, %reduce_sum3A, %reduce_sum3A_21 [1, 2] : vector<1x8x1024xf32> to vector<1xf32>
    %reduce_sum3A_23 = vector.shape_cast %reduce_sum3A_22 : vector<1xf32> to vector<1x1x1xf32>
    %reduce_sum3A_24 = vector.extract %reduce_sum3A_23[0, 0, 0] : f32 from vector<1x1x1xf32>
    %reduce_sum3A_25 = vector.shape_cast %exp3A_20 : vector<8x1024xf32> to vector<1x8x1024xf32>
    %reduce_sum3A_26 = arith.constant dense<0.000000e+00> : vector<1xf32>
    %reduce_sum3A_27 = vector.multi_reduction <add>, %reduce_sum3A_25, %reduce_sum3A_26 [1, 2] : vector<1x8x1024xf32> to vector<1xf32>
    %reduce_sum3A_28 = vector.shape_cast %reduce_sum3A_27 : vector<1xf32> to vector<1x1x1xf32>
    %reduce_sum3A_29 = vector.extract %reduce_sum3A_28[0, 0, 0] : f32 from vector<1x1x1xf32>
    %add3A = arith.addf %reduce_sum3A_24, %reduce_sum3A_29 : f32
    %div3A = vector.broadcast %add3A : f32 to vector<8x1024xf32>
    %div3A_30 = arith.divf %exp3A, %div3A : vector<8x1024xf32>
    %div3A_31 = vector.broadcast %add3A : f32 to vector<8x1024xf32>
    %div3A_32 = arith.divf %exp3A_20, %div3A_31 : vector<8x1024xf32>
    %bitcast_convert_type3A = tpu.bitcast %div3A_30 : vector<8x1024xf32> -> vector<8x1024xi32>
    %bitcast_convert_type3A_33 = tpu.bitcast %div3A_32 : vector<8x1024xf32> -> vector<8x1024xi32>
    %broadcast_in_dim3A = arith.constant -1 : i32
    %broadcast_in_dim3A_34 = vector.broadcast %broadcast_in_dim3A : i32 to vector<1x1xi32>
    %broadcast_in_dim3A_35 = arith.constant 2139095040 : i32
    %broadcast_in_dim3A_36 = vector.broadcast %broadcast_in_dim3A_35 : i32 to vector<1x1xi32>
    %scan3A = arith.constant 0 : i32
    %scan3A_37 = arith.constant 32 : i32
    %scan3A_38 = arith.addi %scan3A, %scan3A_37 : i32
    %scan3A_39 = arith.constant 1 : i32
    %scan3A_40:2 = scf.for %scan3A_346 = %scan3A to %scan3A_38 step %scan3A_39 iter_args(%scan3A_347 = %broadcast_in_dim3A_34, %scan3A_348 = %broadcast_in_dim3A_36) -> (vector<1x1xi32>, vector<1x1xi32>)  : i32 {
      %sub3A_349 = arith.subi %scan3A_348, %scan3A_347 : vector<1x1xi32>
      %jit3A_350 = arith.constant 2 : i32
      %div3A_351 = vector.broadcast %jit3A_350 : i32 to vector<1x1xi32>
      %div3A_352 = arith.divsi %sub3A_349, %div3A_351 : vector<1x1xi32>
      %sign3A = arith.constant 0 : i32
      %sign3A_353 = vector.broadcast %sign3A : i32 to vector<1x1xi32>
      %sign3A_354 = arith.cmpi sgt, %sub3A_349, %sign3A_353 : vector<1x1xi32>
      %sign3A_355 = arith.extui %sign3A_354 : vector<1x1xi1> to vector<1x1xi32>
      %sign3A_356 = arith.constant 0 : i32
      %sign3A_357 = vector.broadcast %sign3A_356 : i32 to vector<1x1xi32>
      %sign3A_358 = arith.cmpi slt, %sub3A_349, %sign3A_357 : vector<1x1xi32>
      %sign3A_359 = arith.extui %sign3A_358 : vector<1x1xi1> to vector<1x1xi32>
      %sign3A_360 = arith.subi %sign3A_355, %sign3A_359 : vector<1x1xi32>
      %sign3A_361 = arith.constant 0 : i32
      %sign3A_362 = arith.cmpi sgt, %jit3A_350, %sign3A_361 : i32
      %sign3A_363 = arith.extui %sign3A_362 : i1 to i32
      %sign3A_364 = arith.constant 0 : i32
      %sign3A_365 = arith.cmpi slt, %jit3A_350, %sign3A_364 : i32
      %sign3A_366 = arith.extui %sign3A_365 : i1 to i32
      %sign3A_367 = arith.subi %sign3A_363, %sign3A_366 : i32
      %ne3A = vector.broadcast %sign3A_367 : i32 to vector<1x1xi32>
      %ne3A_368 = arith.cmpi ne, %sign3A_360, %ne3A : vector<1x1xi32>
      %rem3A = vector.broadcast %jit3A_350 : i32 to vector<1x1xi32>
      %rem3A_369 = arith.remsi %sub3A_349, %rem3A : vector<1x1xi32>
      %ne3A_370 = arith.constant 0 : i32
      %ne3A_371 = vector.broadcast %ne3A_370 : i32 to vector<1x1xi32>
      %ne3A_372 = arith.cmpi ne, %rem3A_369, %ne3A_371 : vector<1x1xi32>
      %and3A_373 = arith.andi %ne3A_368, %ne3A_372 : vector<1x1xi1>
      %sub3A_374 = arith.constant 1 : i32
      %sub3A_375 = vector.broadcast %sub3A_374 : i32 to vector<1x1xi32>
      %sub3A_376 = arith.subi %div3A_352, %sub3A_375 : vector<1x1xi32>
      %select_n3A_377 = arith.select %and3A_373, %sub3A_376, %div3A_352 : vector<1x1xi1>, vector<1x1xi32>
      %add3A_378 = arith.addi %scan3A_347, %select_n3A_377 : vector<1x1xi32>
      %gt3A_379 = vector.broadcast %add3A_378 : vector<1x1xi32> to vector<8x1024xi32>
      %gt3A_380 = arith.cmpi sgt, %bitcast_convert_type3A, %gt3A_379 : vector<8x1024xi32>
      %jit3A_381 = arith.constant 1 : i32
      %jit3A_382 = arith.constant 0 : i32
      %broadcast_in_dim3A_383 = vector.broadcast %jit3A_381 : i32 to vector<8x1024xi32>
      %broadcast_in_dim3A_384 = vector.broadcast %jit3A_382 : i32 to vector<8x1024xi32>
      %select_n3A_385 = arith.select %gt3A_380, %broadcast_in_dim3A_383, %broadcast_in_dim3A_384 : vector<8x1024xi1>, vector<8x1024xi32>
      %reduce_sum3A_386 = arith.constant dense<0> : vector<8xi32>
      %reduce_sum3A_387 = vector.multi_reduction <add>, %select_n3A_385, %reduce_sum3A_386 [1] : vector<8x1024xi32> to vector<8xi32>
      %broadcast_in_dim3A_388 = vector.shape_cast %reduce_sum3A_387 : vector<8xi32> to vector<8x1xi32>
      %reduce_sum3A_389 = arith.constant dense<0> : vector<1xi32>
      %reduce_sum3A_390 = vector.multi_reduction <add>, %broadcast_in_dim3A_388, %reduce_sum3A_389 [0] : vector<8x1xi32> to vector<1xi32>
      %broadcast_in_dim3A_391 = vector.shape_cast %reduce_sum3A_390 : vector<1xi32> to vector<1x1xi32>
      %gt3A_392 = vector.broadcast %add3A_378 : vector<1x1xi32> to vector<8x1024xi32>
      %gt3A_393 = arith.cmpi sgt, %bitcast_convert_type3A_33, %gt3A_392 : vector<8x1024xi32>
      %jit3A_394 = arith.constant 1 : i32
      %jit3A_395 = arith.constant 0 : i32
      %broadcast_in_dim3A_396 = vector.broadcast %jit3A_394 : i32 to vector<8x1024xi32>
      %broadcast_in_dim3A_397 = vector.broadcast %jit3A_395 : i32 to vector<8x1024xi32>
      %select_n3A_398 = arith.select %gt3A_393, %broadcast_in_dim3A_396, %broadcast_in_dim3A_397 : vector<8x1024xi1>, vector<8x1024xi32>
      %reduce_sum3A_399 = arith.constant dense<0> : vector<8xi32>
      %reduce_sum3A_400 = vector.multi_reduction <add>, %select_n3A_398, %reduce_sum3A_399 [1] : vector<8x1024xi32> to vector<8xi32>
      %broadcast_in_dim3A_401 = vector.shape_cast %reduce_sum3A_400 : vector<8xi32> to vector<8x1xi32>
      %reduce_sum3A_402 = arith.constant dense<0> : vector<1xi32>
      %reduce_sum3A_403 = vector.multi_reduction <add>, %broadcast_in_dim3A_401, %reduce_sum3A_402 [0] : vector<8x1xi32> to vector<1xi32>
      %broadcast_in_dim3A_404 = vector.shape_cast %reduce_sum3A_403 : vector<1xi32> to vector<1x1xi32>
      %add3A_405 = arith.addi %broadcast_in_dim3A_391, %broadcast_in_dim3A_404 : vector<1x1xi32>
      %lt3A = arith.constant 512 : i32
      %lt3A_406 = vector.broadcast %lt3A : i32 to vector<1x1xi32>
      %lt3A_407 = arith.cmpi slt, %add3A_405, %lt3A_406 : vector<1x1xi32>
      %select_n3A_408 = arith.select %lt3A_407, %scan3A_347, %add3A_378 : vector<1x1xi1>, vector<1x1xi32>
      %select_n3A_409 = arith.select %lt3A_407, %add3A_378, %scan3A_348 : vector<1x1xi1>, vector<1x1xi32>
      scf.yield %select_n3A_408, %select_n3A_409 : vector<1x1xi32>, vector<1x1xi32>
    }
    %gt3A = vector.broadcast %scan3A_40#1 : vector<1x1xi32> to vector<8x1024xi32>
    %gt3A_41 = arith.cmpi sgt, %bitcast_convert_type3A, %gt3A : vector<8x1024xi32>
    %gt3A_42 = vector.broadcast %scan3A_40#1 : vector<1x1xi32> to vector<8x1024xi32>
    %gt3A_43 = arith.cmpi sgt, %bitcast_convert_type3A_33, %gt3A_42 : vector<8x1024xi32>
    %eq3A = vector.broadcast %scan3A_40#1 : vector<1x1xi32> to vector<8x1024xi32>
    %eq3A_44 = arith.cmpi eq, %bitcast_convert_type3A, %eq3A : vector<8x1024xi32>
    %convert_element_type3A = arith.extui %eq3A_44 : vector<8x1024xi1> to vector<8x1024xi32>
    %eq3A_45 = vector.broadcast %scan3A_40#1 : vector<1x1xi32> to vector<8x1024xi32>
    %eq3A_46 = arith.cmpi eq, %bitcast_convert_type3A_33, %eq3A_45 : vector<8x1024xi32>
    %convert_element_type3A_47 = arith.extui %eq3A_46 : vector<8x1024xi1> to vector<8x1024xi32>
    %jit3A = arith.constant 1 : i32
    %jit3A_48 = arith.constant 0 : i32
    %broadcast_in_dim3A_49 = vector.broadcast %jit3A : i32 to vector<8x1024xi32>
    %broadcast_in_dim3A_50 = vector.broadcast %jit3A_48 : i32 to vector<8x1024xi32>
    %select_n3A = arith.select %gt3A_41, %broadcast_in_dim3A_49, %broadcast_in_dim3A_50 : vector<8x1024xi1>, vector<8x1024xi32>
    %reduce_sum3A_51 = arith.constant dense<0> : vector<8xi32>
    %reduce_sum3A_52 = vector.multi_reduction <add>, %select_n3A, %reduce_sum3A_51 [1] : vector<8x1024xi32> to vector<8xi32>
    %broadcast_in_dim3A_53 = vector.shape_cast %reduce_sum3A_52 : vector<8xi32> to vector<8x1xi32>
    %reduce_sum3A_54 = arith.constant dense<0> : vector<1xi32>
    %reduce_sum3A_55 = vector.multi_reduction <add>, %broadcast_in_dim3A_53, %reduce_sum3A_54 [0] : vector<8x1xi32> to vector<1xi32>
    %broadcast_in_dim3A_56 = vector.shape_cast %reduce_sum3A_55 : vector<1xi32> to vector<1x1xi32>
    %sub3A_57 = arith.constant 512 : i32
    %sub3A_58 = vector.broadcast %sub3A_57 : i32 to vector<1x1xi32>
    %sub3A_59 = arith.subi %sub3A_58, %broadcast_in_dim3A_56 : vector<1x1xi32>
    %jit3A_60 = arith.constant 1 : i32
    %jit3A_61 = arith.constant 0 : i32
    %broadcast_in_dim3A_62 = vector.broadcast %jit3A_60 : i32 to vector<8x1024xi32>
    %broadcast_in_dim3A_63 = vector.broadcast %jit3A_61 : i32 to vector<8x1024xi32>
    %select_n3A_64 = arith.select %gt3A_43, %broadcast_in_dim3A_62, %broadcast_in_dim3A_63 : vector<8x1024xi1>, vector<8x1024xi32>
    %reduce_sum3A_65 = arith.constant dense<0> : vector<8xi32>
    %reduce_sum3A_66 = vector.multi_reduction <add>, %select_n3A_64, %reduce_sum3A_65 [1] : vector<8x1024xi32> to vector<8xi32>
    %broadcast_in_dim3A_67 = vector.shape_cast %reduce_sum3A_66 : vector<8xi32> to vector<8x1xi32>
    %reduce_sum3A_68 = arith.constant dense<0> : vector<1xi32>
    %reduce_sum3A_69 = vector.multi_reduction <add>, %broadcast_in_dim3A_67, %reduce_sum3A_68 [0] : vector<8x1xi32> to vector<1xi32>
    %broadcast_in_dim3A_70 = vector.shape_cast %reduce_sum3A_69 : vector<1xi32> to vector<1x1xi32>
    %sub3A_71 = arith.subi %sub3A_59, %broadcast_in_dim3A_70 : vector<1x1xi32>
    %iota3A = tpu.iota {dimensions = array<i32: 1>} : vector<8x1024xi32>
    %roll3A = arith.constant 1 : i32
    %roll3A_72 = tpu.dynamic_rotate %convert_element_type3A by %roll3A dim 1 : vector<8x1024xi32>, i32 -> vector<8x1024xi32>
    %ge3A = arith.constant 1 : i32
    %ge3A_73 = vector.broadcast %ge3A : i32 to vector<8x1024xi32>
    %ge3A_74 = arith.cmpi sge, %iota3A, %ge3A_73 : vector<8x1024xi32>
    %jit3A_75 = arith.constant 0 : i32
    %broadcast_in_dim3A_76 = vector.broadcast %jit3A_75 : i32 to vector<8x1024xi32>
    %select_n3A_77 = arith.select %ge3A_74, %roll3A_72, %broadcast_in_dim3A_76 : vector<8x1024xi1>, vector<8x1024xi32>
    %add3A_78 = arith.addi %convert_element_type3A, %select_n3A_77 : vector<8x1024xi32>
    %roll3A_79 = arith.constant 2 : i32
    %roll3A_80 = tpu.dynamic_rotate %add3A_78 by %roll3A_79 dim 1 : vector<8x1024xi32>, i32 -> vector<8x1024xi32>
    %ge3A_81 = arith.constant 2 : i32
    %ge3A_82 = vector.broadcast %ge3A_81 : i32 to vector<8x1024xi32>
    %ge3A_83 = arith.cmpi sge, %iota3A, %ge3A_82 : vector<8x1024xi32>
    %jit3A_84 = arith.constant 0 : i32
    %broadcast_in_dim3A_85 = vector.broadcast %jit3A_84 : i32 to vector<8x1024xi32>
    %select_n3A_86 = arith.select %ge3A_83, %roll3A_80, %broadcast_in_dim3A_85 : vector<8x1024xi1>, vector<8x1024xi32>
    %add3A_87 = arith.addi %add3A_78, %select_n3A_86 : vector<8x1024xi32>
    %roll3A_88 = arith.constant 4 : i32
    %roll3A_89 = tpu.dynamic_rotate %add3A_87 by %roll3A_88 dim 1 : vector<8x1024xi32>, i32 -> vector<8x1024xi32>
    %ge3A_90 = arith.constant 4 : i32
    %ge3A_91 = vector.broadcast %ge3A_90 : i32 to vector<8x1024xi32>
    %ge3A_92 = arith.cmpi sge, %iota3A, %ge3A_91 : vector<8x1024xi32>
    %jit3A_93 = arith.constant 0 : i32
    %broadcast_in_dim3A_94 = vector.broadcast %jit3A_93 : i32 to vector<8x1024xi32>
    %select_n3A_95 = arith.select %ge3A_92, %roll3A_89, %broadcast_in_dim3A_94 : vector<8x1024xi1>, vector<8x1024xi32>
    %add3A_96 = arith.addi %add3A_87, %select_n3A_95 : vector<8x1024xi32>
    %roll3A_97 = arith.constant 8 : i32
    %roll3A_98 = tpu.dynamic_rotate %add3A_96 by %roll3A_97 dim 1 : vector<8x1024xi32>, i32 -> vector<8x1024xi32>
    %ge3A_99 = arith.constant 8 : i32
    %ge3A_100 = vector.broadcast %ge3A_99 : i32 to vector<8x1024xi32>
    %ge3A_101 = arith.cmpi sge, %iota3A, %ge3A_100 : vector<8x1024xi32>
    %jit3A_102 = arith.constant 0 : i32
    %broadcast_in_dim3A_103 = vector.broadcast %jit3A_102 : i32 to vector<8x1024xi32>
    %select_n3A_104 = arith.select %ge3A_101, %roll3A_98, %broadcast_in_dim3A_103 : vector<8x1024xi1>, vector<8x1024xi32>
    %add3A_105 = arith.addi %add3A_96, %select_n3A_104 : vector<8x1024xi32>
    %roll3A_106 = arith.constant 16 : i32
    %roll3A_107 = tpu.dynamic_rotate %add3A_105 by %roll3A_106 dim 1 : vector<8x1024xi32>, i32 -> vector<8x1024xi32>
    %ge3A_108 = arith.constant 16 : i32
    %ge3A_109 = vector.broadcast %ge3A_108 : i32 to vector<8x1024xi32>
    %ge3A_110 = arith.cmpi sge, %iota3A, %ge3A_109 : vector<8x1024xi32>
    %jit3A_111 = arith.constant 0 : i32
    %broadcast_in_dim3A_112 = vector.broadcast %jit3A_111 : i32 to vector<8x1024xi32>
    %select_n3A_113 = arith.select %ge3A_110, %roll3A_107, %broadcast_in_dim3A_112 : vector<8x1024xi1>, vector<8x1024xi32>
    %add3A_114 = arith.addi %add3A_105, %select_n3A_113 : vector<8x1024xi32>
    %roll3A_115 = arith.constant 32 : i32
    %roll3A_116 = tpu.dynamic_rotate %add3A_114 by %roll3A_115 dim 1 : vector<8x1024xi32>, i32 -> vector<8x1024xi32>
    %ge3A_117 = arith.constant 32 : i32
    %ge3A_118 = vector.broadcast %ge3A_117 : i32 to vector<8x1024xi32>
    %ge3A_119 = arith.cmpi sge, %iota3A, %ge3A_118 : vector<8x1024xi32>
    %jit3A_120 = arith.constant 0 : i32
    %broadcast_in_dim3A_121 = vector.broadcast %jit3A_120 : i32 to vector<8x1024xi32>
    %select_n3A_122 = arith.select %ge3A_119, %roll3A_116, %broadcast_in_dim3A_121 : vector<8x1024xi1>, vector<8x1024xi32>
    %add3A_123 = arith.addi %add3A_114, %select_n3A_122 : vector<8x1024xi32>
    %roll3A_124 = arith.constant 64 : i32
    %roll3A_125 = tpu.dynamic_rotate %add3A_123 by %roll3A_124 dim 1 : vector<8x1024xi32>, i32 -> vector<8x1024xi32>
    %ge3A_126 = arith.constant 64 : i32
    %ge3A_127 = vector.broadcast %ge3A_126 : i32 to vector<8x1024xi32>
    %ge3A_128 = arith.cmpi sge, %iota3A, %ge3A_127 : vector<8x1024xi32>
    %jit3A_129 = arith.constant 0 : i32
    %broadcast_in_dim3A_130 = vector.broadcast %jit3A_129 : i32 to vector<8x1024xi32>
    %select_n3A_131 = arith.select %ge3A_128, %roll3A_125, %broadcast_in_dim3A_130 : vector<8x1024xi1>, vector<8x1024xi32>
    %add3A_132 = arith.addi %add3A_123, %select_n3A_131 : vector<8x1024xi32>
    %roll3A_133 = arith.constant 128 : i32
    %roll3A_134 = tpu.dynamic_rotate %add3A_132 by %roll3A_133 dim 1 : vector<8x1024xi32>, i32 -> vector<8x1024xi32>
    %ge3A_135 = arith.constant 128 : i32
    %ge3A_136 = vector.broadcast %ge3A_135 : i32 to vector<8x1024xi32>
    %ge3A_137 = arith.cmpi sge, %iota3A, %ge3A_136 : vector<8x1024xi32>
    %jit3A_138 = arith.constant 0 : i32
    %broadcast_in_dim3A_139 = vector.broadcast %jit3A_138 : i32 to vector<8x1024xi32>
    %select_n3A_140 = arith.select %ge3A_137, %roll3A_134, %broadcast_in_dim3A_139 : vector<8x1024xi1>, vector<8x1024xi32>
    %add3A_141 = arith.addi %add3A_132, %select_n3A_140 : vector<8x1024xi32>
    %roll3A_142 = arith.constant 256 : i32
    %roll3A_143 = tpu.dynamic_rotate %add3A_141 by %roll3A_142 dim 1 : vector<8x1024xi32>, i32 -> vector<8x1024xi32>
    %ge3A_144 = arith.constant 256 : i32
    %ge3A_145 = vector.broadcast %ge3A_144 : i32 to vector<8x1024xi32>
    %ge3A_146 = arith.cmpi sge, %iota3A, %ge3A_145 : vector<8x1024xi32>
    %jit3A_147 = arith.constant 0 : i32
    %broadcast_in_dim3A_148 = vector.broadcast %jit3A_147 : i32 to vector<8x1024xi32>
    %select_n3A_149 = arith.select %ge3A_146, %roll3A_143, %broadcast_in_dim3A_148 : vector<8x1024xi1>, vector<8x1024xi32>
    %add3A_150 = arith.addi %add3A_141, %select_n3A_149 : vector<8x1024xi32>
    %roll3A_151 = arith.constant 512 : i32
    %roll3A_152 = tpu.dynamic_rotate %add3A_150 by %roll3A_151 dim 1 : vector<8x1024xi32>, i32 -> vector<8x1024xi32>
    %ge3A_153 = arith.constant 512 : i32
    %ge3A_154 = vector.broadcast %ge3A_153 : i32 to vector<8x1024xi32>
    %ge3A_155 = arith.cmpi sge, %iota3A, %ge3A_154 : vector<8x1024xi32>
    %jit3A_156 = arith.constant 0 : i32
    %broadcast_in_dim3A_157 = vector.broadcast %jit3A_156 : i32 to vector<8x1024xi32>
    %select_n3A_158 = arith.select %ge3A_155, %roll3A_152, %broadcast_in_dim3A_157 : vector<8x1024xi1>, vector<8x1024xi32>
    %add3A_159 = arith.addi %add3A_150, %select_n3A_158 : vector<8x1024xi32>
    %slice3A = vector.extract_strided_slice %add3A_159 {offsets = [0, 1023], sizes = [8, 1], strides = [1, 1]} : vector<8x1024xi32> to vector<8x1xi32>
    %iota3A_160 = tpu.iota {dimensions = array<i32: 0>} : vector<8x1xi32>
    %roll3A_161 = arith.constant 1 : i32
    %roll3A_162 = tpu.dynamic_rotate %slice3A by %roll3A_161 dim 0 : vector<8x1xi32>, i32 -> vector<8x1xi32>
    %ge3A_163 = arith.constant 1 : i32
    %ge3A_164 = vector.broadcast %ge3A_163 : i32 to vector<8x1xi32>
    %ge3A_165 = arith.cmpi sge, %iota3A_160, %ge3A_164 : vector<8x1xi32>
    %jit3A_166 = arith.constant 0 : i32
    %broadcast_in_dim3A_167 = vector.broadcast %jit3A_166 : i32 to vector<8x1xi32>
    %select_n3A_168 = arith.select %ge3A_165, %roll3A_162, %broadcast_in_dim3A_167 : vector<8x1xi1>, vector<8x1xi32>
    %add3A_169 = arith.addi %slice3A, %select_n3A_168 : vector<8x1xi32>
    %roll3A_170 = arith.constant 2 : i32
    %roll3A_171 = tpu.dynamic_rotate %add3A_169 by %roll3A_170 dim 0 : vector<8x1xi32>, i32 -> vector<8x1xi32>
    %ge3A_172 = arith.constant 2 : i32
    %ge3A_173 = vector.broadcast %ge3A_172 : i32 to vector<8x1xi32>
    %ge3A_174 = arith.cmpi sge, %iota3A_160, %ge3A_173 : vector<8x1xi32>
    %jit3A_175 = arith.constant 0 : i32
    %broadcast_in_dim3A_176 = vector.broadcast %jit3A_175 : i32 to vector<8x1xi32>
    %select_n3A_177 = arith.select %ge3A_174, %roll3A_171, %broadcast_in_dim3A_176 : vector<8x1xi1>, vector<8x1xi32>
    %add3A_178 = arith.addi %add3A_169, %select_n3A_177 : vector<8x1xi32>
    %roll3A_179 = arith.constant 4 : i32
    %roll3A_180 = tpu.dynamic_rotate %add3A_178 by %roll3A_179 dim 0 : vector<8x1xi32>, i32 -> vector<8x1xi32>
    %ge3A_181 = arith.constant 4 : i32
    %ge3A_182 = vector.broadcast %ge3A_181 : i32 to vector<8x1xi32>
    %ge3A_183 = arith.cmpi sge, %iota3A_160, %ge3A_182 : vector<8x1xi32>
    %jit3A_184 = arith.constant 0 : i32
    %broadcast_in_dim3A_185 = vector.broadcast %jit3A_184 : i32 to vector<8x1xi32>
    %select_n3A_186 = arith.select %ge3A_183, %roll3A_180, %broadcast_in_dim3A_185 : vector<8x1xi1>, vector<8x1xi32>
    %add3A_187 = arith.addi %add3A_178, %select_n3A_186 : vector<8x1xi32>
    %sub3A_188 = arith.subi %add3A_187, %slice3A : vector<8x1xi32>
    %add3A_189 = vector.broadcast %sub3A_188 : vector<8x1xi32> to vector<8x1024xi32>
    %add3A_190 = arith.addi %add3A_159, %add3A_189 : vector<8x1024xi32>
    %iota3A_191 = tpu.iota {dimensions = array<i32: 1>} : vector<8x1024xi32>
    %roll3A_192 = arith.constant 1 : i32
    %roll3A_193 = tpu.dynamic_rotate %convert_element_type3A_47 by %roll3A_192 dim 1 : vector<8x1024xi32>, i32 -> vector<8x1024xi32>
    %ge3A_194 = arith.constant 1 : i32
    %ge3A_195 = vector.broadcast %ge3A_194 : i32 to vector<8x1024xi32>
    %ge3A_196 = arith.cmpi sge, %iota3A_191, %ge3A_195 : vector<8x1024xi32>
    %jit3A_197 = arith.constant 0 : i32
    %broadcast_in_dim3A_198 = vector.broadcast %jit3A_197 : i32 to vector<8x1024xi32>
    %select_n3A_199 = arith.select %ge3A_196, %roll3A_193, %broadcast_in_dim3A_198 : vector<8x1024xi1>, vector<8x1024xi32>
    %add3A_200 = arith.addi %convert_element_type3A_47, %select_n3A_199 : vector<8x1024xi32>
    %roll3A_201 = arith.constant 2 : i32
    %roll3A_202 = tpu.dynamic_rotate %add3A_200 by %roll3A_201 dim 1 : vector<8x1024xi32>, i32 -> vector<8x1024xi32>
    %ge3A_203 = arith.constant 2 : i32
    %ge3A_204 = vector.broadcast %ge3A_203 : i32 to vector<8x1024xi32>
    %ge3A_205 = arith.cmpi sge, %iota3A_191, %ge3A_204 : vector<8x1024xi32>
    %jit3A_206 = arith.constant 0 : i32
    %broadcast_in_dim3A_207 = vector.broadcast %jit3A_206 : i32 to vector<8x1024xi32>
    %select_n3A_208 = arith.select %ge3A_205, %roll3A_202, %broadcast_in_dim3A_207 : vector<8x1024xi1>, vector<8x1024xi32>
    %add3A_209 = arith.addi %add3A_200, %select_n3A_208 : vector<8x1024xi32>
    %roll3A_210 = arith.constant 4 : i32
    %roll3A_211 = tpu.dynamic_rotate %add3A_209 by %roll3A_210 dim 1 : vector<8x1024xi32>, i32 -> vector<8x1024xi32>
    %ge3A_212 = arith.constant 4 : i32
    %ge3A_213 = vector.broadcast %ge3A_212 : i32 to vector<8x1024xi32>
    %ge3A_214 = arith.cmpi sge, %iota3A_191, %ge3A_213 : vector<8x1024xi32>
    %jit3A_215 = arith.constant 0 : i32
    %broadcast_in_dim3A_216 = vector.broadcast %jit3A_215 : i32 to vector<8x1024xi32>
    %select_n3A_217 = arith.select %ge3A_214, %roll3A_211, %broadcast_in_dim3A_216 : vector<8x1024xi1>, vector<8x1024xi32>
    %add3A_218 = arith.addi %add3A_209, %select_n3A_217 : vector<8x1024xi32>
    %roll3A_219 = arith.constant 8 : i32
    %roll3A_220 = tpu.dynamic_rotate %add3A_218 by %roll3A_219 dim 1 : vector<8x1024xi32>, i32 -> vector<8x1024xi32>
    %ge3A_221 = arith.constant 8 : i32
    %ge3A_222 = vector.broadcast %ge3A_221 : i32 to vector<8x1024xi32>
    %ge3A_223 = arith.cmpi sge, %iota3A_191, %ge3A_222 : vector<8x1024xi32>
    %jit3A_224 = arith.constant 0 : i32
    %broadcast_in_dim3A_225 = vector.broadcast %jit3A_224 : i32 to vector<8x1024xi32>
    %select_n3A_226 = arith.select %ge3A_223, %roll3A_220, %broadcast_in_dim3A_225 : vector<8x1024xi1>, vector<8x1024xi32>
    %add3A_227 = arith.addi %add3A_218, %select_n3A_226 : vector<8x1024xi32>
    %roll3A_228 = arith.constant 16 : i32
    %roll3A_229 = tpu.dynamic_rotate %add3A_227 by %roll3A_228 dim 1 : vector<8x1024xi32>, i32 -> vector<8x1024xi32>
    %ge3A_230 = arith.constant 16 : i32
    %ge3A_231 = vector.broadcast %ge3A_230 : i32 to vector<8x1024xi32>
    %ge3A_232 = arith.cmpi sge, %iota3A_191, %ge3A_231 : vector<8x1024xi32>
    %jit3A_233 = arith.constant 0 : i32
    %broadcast_in_dim3A_234 = vector.broadcast %jit3A_233 : i32 to vector<8x1024xi32>
    %select_n3A_235 = arith.select %ge3A_232, %roll3A_229, %broadcast_in_dim3A_234 : vector<8x1024xi1>, vector<8x1024xi32>
    %add3A_236 = arith.addi %add3A_227, %select_n3A_235 : vector<8x1024xi32>
    %roll3A_237 = arith.constant 32 : i32
    %roll3A_238 = tpu.dynamic_rotate %add3A_236 by %roll3A_237 dim 1 : vector<8x1024xi32>, i32 -> vector<8x1024xi32>
    %ge3A_239 = arith.constant 32 : i32
    %ge3A_240 = vector.broadcast %ge3A_239 : i32 to vector<8x1024xi32>
    %ge3A_241 = arith.cmpi sge, %iota3A_191, %ge3A_240 : vector<8x1024xi32>
    %jit3A_242 = arith.constant 0 : i32
    %broadcast_in_dim3A_243 = vector.broadcast %jit3A_242 : i32 to vector<8x1024xi32>
    %select_n3A_244 = arith.select %ge3A_241, %roll3A_238, %broadcast_in_dim3A_243 : vector<8x1024xi1>, vector<8x1024xi32>
    %add3A_245 = arith.addi %add3A_236, %select_n3A_244 : vector<8x1024xi32>
    %roll3A_246 = arith.constant 64 : i32
    %roll3A_247 = tpu.dynamic_rotate %add3A_245 by %roll3A_246 dim 1 : vector<8x1024xi32>, i32 -> vector<8x1024xi32>
    %ge3A_248 = arith.constant 64 : i32
    %ge3A_249 = vector.broadcast %ge3A_248 : i32 to vector<8x1024xi32>
    %ge3A_250 = arith.cmpi sge, %iota3A_191, %ge3A_249 : vector<8x1024xi32>
    %jit3A_251 = arith.constant 0 : i32
    %broadcast_in_dim3A_252 = vector.broadcast %jit3A_251 : i32 to vector<8x1024xi32>
    %select_n3A_253 = arith.select %ge3A_250, %roll3A_247, %broadcast_in_dim3A_252 : vector<8x1024xi1>, vector<8x1024xi32>
    %add3A_254 = arith.addi %add3A_245, %select_n3A_253 : vector<8x1024xi32>
    %roll3A_255 = arith.constant 128 : i32
    %roll3A_256 = tpu.dynamic_rotate %add3A_254 by %roll3A_255 dim 1 : vector<8x1024xi32>, i32 -> vector<8x1024xi32>
    %ge3A_257 = arith.constant 128 : i32
    %ge3A_258 = vector.broadcast %ge3A_257 : i32 to vector<8x1024xi32>
    %ge3A_259 = arith.cmpi sge, %iota3A_191, %ge3A_258 : vector<8x1024xi32>
    %jit3A_260 = arith.constant 0 : i32
    %broadcast_in_dim3A_261 = vector.broadcast %jit3A_260 : i32 to vector<8x1024xi32>
    %select_n3A_262 = arith.select %ge3A_259, %roll3A_256, %broadcast_in_dim3A_261 : vector<8x1024xi1>, vector<8x1024xi32>
    %add3A_263 = arith.addi %add3A_254, %select_n3A_262 : vector<8x1024xi32>
    %roll3A_264 = arith.constant 256 : i32
    %roll3A_265 = tpu.dynamic_rotate %add3A_263 by %roll3A_264 dim 1 : vector<8x1024xi32>, i32 -> vector<8x1024xi32>
    %ge3A_266 = arith.constant 256 : i32
    %ge3A_267 = vector.broadcast %ge3A_266 : i32 to vector<8x1024xi32>
    %ge3A_268 = arith.cmpi sge, %iota3A_191, %ge3A_267 : vector<8x1024xi32>
    %jit3A_269 = arith.constant 0 : i32
    %broadcast_in_dim3A_270 = vector.broadcast %jit3A_269 : i32 to vector<8x1024xi32>
    %select_n3A_271 = arith.select %ge3A_268, %roll3A_265, %broadcast_in_dim3A_270 : vector<8x1024xi1>, vector<8x1024xi32>
    %add3A_272 = arith.addi %add3A_263, %select_n3A_271 : vector<8x1024xi32>
    %roll3A_273 = arith.constant 512 : i32
    %roll3A_274 = tpu.dynamic_rotate %add3A_272 by %roll3A_273 dim 1 : vector<8x1024xi32>, i32 -> vector<8x1024xi32>
    %ge3A_275 = arith.constant 512 : i32
    %ge3A_276 = vector.broadcast %ge3A_275 : i32 to vector<8x1024xi32>
    %ge3A_277 = arith.cmpi sge, %iota3A_191, %ge3A_276 : vector<8x1024xi32>
    %jit3A_278 = arith.constant 0 : i32
    %broadcast_in_dim3A_279 = vector.broadcast %jit3A_278 : i32 to vector<8x1024xi32>
    %select_n3A_280 = arith.select %ge3A_277, %roll3A_274, %broadcast_in_dim3A_279 : vector<8x1024xi1>, vector<8x1024xi32>
    %add3A_281 = arith.addi %add3A_272, %select_n3A_280 : vector<8x1024xi32>
    %slice3A_282 = vector.extract_strided_slice %add3A_281 {offsets = [0, 1023], sizes = [8, 1], strides = [1, 1]} : vector<8x1024xi32> to vector<8x1xi32>
    %iota3A_283 = tpu.iota {dimensions = array<i32: 0>} : vector<8x1xi32>
    %roll3A_284 = arith.constant 1 : i32
    %roll3A_285 = tpu.dynamic_rotate %slice3A_282 by %roll3A_284 dim 0 : vector<8x1xi32>, i32 -> vector<8x1xi32>
    %ge3A_286 = arith.constant 1 : i32
    %ge3A_287 = vector.broadcast %ge3A_286 : i32 to vector<8x1xi32>
    %ge3A_288 = arith.cmpi sge, %iota3A_283, %ge3A_287 : vector<8x1xi32>
    %jit3A_289 = arith.constant 0 : i32
    %broadcast_in_dim3A_290 = vector.broadcast %jit3A_289 : i32 to vector<8x1xi32>
    %select_n3A_291 = arith.select %ge3A_288, %roll3A_285, %broadcast_in_dim3A_290 : vector<8x1xi1>, vector<8x1xi32>
    %add3A_292 = arith.addi %slice3A_282, %select_n3A_291 : vector<8x1xi32>
    %roll3A_293 = arith.constant 2 : i32
    %roll3A_294 = tpu.dynamic_rotate %add3A_292 by %roll3A_293 dim 0 : vector<8x1xi32>, i32 -> vector<8x1xi32>
    %ge3A_295 = arith.constant 2 : i32
    %ge3A_296 = vector.broadcast %ge3A_295 : i32 to vector<8x1xi32>
    %ge3A_297 = arith.cmpi sge, %iota3A_283, %ge3A_296 : vector<8x1xi32>
    %jit3A_298 = arith.constant 0 : i32
    %broadcast_in_dim3A_299 = vector.broadcast %jit3A_298 : i32 to vector<8x1xi32>
    %select_n3A_300 = arith.select %ge3A_297, %roll3A_294, %broadcast_in_dim3A_299 : vector<8x1xi1>, vector<8x1xi32>
    %add3A_301 = arith.addi %add3A_292, %select_n3A_300 : vector<8x1xi32>
    %roll3A_302 = arith.constant 4 : i32
    %roll3A_303 = tpu.dynamic_rotate %add3A_301 by %roll3A_302 dim 0 : vector<8x1xi32>, i32 -> vector<8x1xi32>
    %ge3A_304 = arith.constant 4 : i32
    %ge3A_305 = vector.broadcast %ge3A_304 : i32 to vector<8x1xi32>
    %ge3A_306 = arith.cmpi sge, %iota3A_283, %ge3A_305 : vector<8x1xi32>
    %jit3A_307 = arith.constant 0 : i32
    %broadcast_in_dim3A_308 = vector.broadcast %jit3A_307 : i32 to vector<8x1xi32>
    %select_n3A_309 = arith.select %ge3A_306, %roll3A_303, %broadcast_in_dim3A_308 : vector<8x1xi1>, vector<8x1xi32>
    %add3A_310 = arith.addi %add3A_301, %select_n3A_309 : vector<8x1xi32>
    %sub3A_311 = arith.subi %add3A_310, %slice3A_282 : vector<8x1xi32>
    %add3A_312 = vector.broadcast %sub3A_311 : vector<8x1xi32> to vector<8x1024xi32>
    %add3A_313 = arith.addi %add3A_281, %add3A_312 : vector<8x1024xi32>
    %reduce_sum3A_314 = arith.constant dense<0> : vector<8xi32>
    %reduce_sum3A_315 = vector.multi_reduction <add>, %convert_element_type3A, %reduce_sum3A_314 [1] : vector<8x1024xi32> to vector<8xi32>
    %broadcast_in_dim3A_316 = vector.shape_cast %reduce_sum3A_315 : vector<8xi32> to vector<8x1xi32>
    %reduce_sum3A_317 = arith.constant dense<0> : vector<1xi32>
    %reduce_sum3A_318 = vector.multi_reduction <add>, %broadcast_in_dim3A_316, %reduce_sum3A_317 [0] : vector<8x1xi32> to vector<1xi32>
    %broadcast_in_dim3A_319 = vector.shape_cast %reduce_sum3A_318 : vector<1xi32> to vector<1x1xi32>
    %add3A_320 = vector.broadcast %broadcast_in_dim3A_319 : vector<1x1xi32> to vector<8x1024xi32>
    %add3A_321 = arith.addi %add3A_313, %add3A_320 : vector<8x1024xi32>
    %get3A_322 = arith.constant 0 : index
    %get3A_323 = arith.constant 0 : index
    %get3A_324 = memref.load %arg2[%get3A_322, %get3A_323] : memref<1x1xf32, #tpu.memory_space<smem>>
    %gt3A_325 = arith.constant 0 : i32
    %gt3A_326 = vector.broadcast %gt3A_325 : i32 to vector<8x1024xi32>
    %gt3A_327 = arith.cmpi sgt, %convert_element_type3A, %gt3A_326 : vector<8x1024xi32>
    %le3A = vector.broadcast %sub3A_71 : vector<1x1xi32> to vector<8x1024xi32>
    %le3A_328 = arith.cmpi sle, %add3A_190, %le3A : vector<8x1024xi32>
    %and3A = arith.andi %gt3A_327, %le3A_328 : vector<8x1024xi1>
    %or3A = arith.ori %gt3A_41, %and3A : vector<8x1024xi1>
    %jit3A_329 = arith.constant 0.000000e+00 : f32
    %broadcast_in_dim3A_330 = vector.broadcast %get3A_324 : f32 to vector<8x1024xf32>
    %broadcast_in_dim3A_331 = vector.broadcast %jit3A_329 : f32 to vector<8x1024xf32>
    %select_n3A_332 = arith.select %or3A, %broadcast_in_dim3A_330, %broadcast_in_dim3A_331 : vector<8x1024xi1>, vector<8x1024xf32>
    %gt3A_333 = arith.constant 0 : i32
    %gt3A_334 = vector.broadcast %gt3A_333 : i32 to vector<8x1024xi32>
    %gt3A_335 = arith.cmpi sgt, %convert_element_type3A_47, %gt3A_334 : vector<8x1024xi32>
    %le3A_336 = vector.broadcast %sub3A_71 : vector<1x1xi32> to vector<8x1024xi32>
    %le3A_337 = arith.cmpi sle, %add3A_321, %le3A_336 : vector<8x1024xi32>
    %and3A_338 = arith.andi %gt3A_335, %le3A_337 : vector<8x1024xi1>
    %or3A_339 = arith.ori %gt3A_43, %and3A_338 : vector<8x1024xi1>
    %jit3A_340 = arith.constant 0.000000e+00 : f32
    %broadcast_in_dim3A_341 = vector.broadcast %get3A_324 : f32 to vector<8x1024xf32>
    %broadcast_in_dim3A_342 = vector.broadcast %jit3A_340 : f32 to vector<8x1024xf32>
    %select_n3A_343 = arith.select %or3A_339, %broadcast_in_dim3A_341, %broadcast_in_dim3A_342 : vector<8x1024xi1>, vector<8x1024xf32>
    %concatenate3A = tpu.concatenate %select_n3A_332, %select_n3A_343 in 0 : vector<8x1024xf32>, vector<8x1024xf32> -> vector<16x1024xf32>
    %swap3A = arith.constant 0 : index
    %swap3A_344 = arith.constant 0 : index
    %swap3A_345 = vector.load %arg3[%swap3A, %swap3A_344] : memref<16x1024xf32, #tpu.memory_space<vmem>>, vector<16x1024xf32>
    tpu.vector_store %arg3[%swap3A, %swap3A_344], %concatenate3A {strides = array<i32>} : memref<16x1024xf32, #tpu.memory_space<vmem>>, vector<16x1024xf32>,
    return
  }
}

module attributes {stable_mosaic.version = 14 : i64} {
  func.func @_mlp_kernel(%arg0: i32, %arg1: memref<4096x128xf32, #tpu.memory_space<vmem>>, %arg2: memref<4096x1xf32, #tpu.memory_space<vmem>>, %arg3: memref<128x64xf32, #tpu.memory_space<vmem>>, %arg4: memref<64x16xf32, #tpu.memory_space<vmem>>, %arg5: memref<305x512xf32, #tpu.memory_space<vmem>>, %arg6: memref<1x512xf32, #tpu.memory_space<vmem>>, %arg7: memref<512x32xf32, #tpu.memory_space<vmem>>, %arg8: memref<1x32xf32, #tpu.memory_space<vmem>>, %arg9: memref<1x32xf32, #tpu.memory_space<vmem>>, %arg10: memref<1x1xf32, #tpu.memory_space<vmem>>, %arg11: memref<8x128xf32, #tpu.memory_space<vmem>>, %arg12: memref<1x128xf32, #tpu.memory_space<vmem>>, %arg13: memref<1x128xf32, #tpu.memory_space<vmem>>, %arg14: memref<1x128xf32, #tpu.memory_space<vmem>>, %arg15: memref<4x1x1024xf32, #tpu.memory_space<vmem>>, %arg16: memref<1x32xf32, #tpu.memory_space<vmem>>) attributes {dimension_semantics = [#tpu.dimension_semantics<arbitrary>], iteration_bounds = array<i64: 2>, scalar_prefetch = 0 : i64, scratch_operands = 1 : i64, tpu.core_type = #tpu.core_type<tc>, window_params = [{transform_indices = @transform_0, window_bounds = array<i64: 4096, 128>}, {transform_indices = @transform_1, window_bounds = array<i64: 4096, 1>}, {pipeline_mode = #tpu.pipeline_mode<synchronous>, transform_indices = @transform_2, window_bounds = array<i64: 128, 64>}, {pipeline_mode = #tpu.pipeline_mode<synchronous>, transform_indices = @transform_3, window_bounds = array<i64: 64, 16>}, {pipeline_mode = #tpu.pipeline_mode<synchronous>, transform_indices = @transform_4, window_bounds = array<i64: 305, 512>}, {pipeline_mode = #tpu.pipeline_mode<synchronous>, transform_indices = @transform_5, window_bounds = array<i64: 1, 512>}, {pipeline_mode = #tpu.pipeline_mode<synchronous>, transform_indices = @transform_6, window_bounds = array<i64: 512, 32>}, {pipeline_mode = #tpu.pipeline_mode<synchronous>, transform_indices = @transform_7, window_bounds = array<i64: 1, 32>}, {pipeline_mode = #tpu.pipeline_mode<synchronous>, transform_indices = @transform_8, window_bounds = array<i64: 1, 32>}, {pipeline_mode = #tpu.pipeline_mode<synchronous>, transform_indices = @transform_9, window_bounds = array<i64: 1, 1>}, {pipeline_mode = #tpu.pipeline_mode<synchronous>, transform_indices = @transform_10, window_bounds = array<i64: 8, 128>}, {pipeline_mode = #tpu.pipeline_mode<synchronous>, transform_indices = @transform_11, window_bounds = array<i64: 1, 128>}, {pipeline_mode = #tpu.pipeline_mode<synchronous>, transform_indices = @transform_12, window_bounds = array<i64: 1, 128>}, {pipeline_mode = #tpu.pipeline_mode<synchronous>, transform_indices = @transform_13, window_bounds = array<i64: 1, 128>}, {transform_indices = @transform_14, window_bounds = array<i64: 4, 1, 1024>}]} {
    %eq3A = arith.constant 0 : i32
    %eq3A_0 = arith.cmpi eq, %arg0, %eq3A : i32
    %convert_element_type3A = arith.extui %eq3A_0 : i1 to i32
    %cond3A = arith.constant 0 : i32
    %cond3A_1 = arith.cmpi ne, %convert_element_type3A, %cond3A : i32
    scf.if %cond3A_1 {
      %get3A_131 = arith.constant 0 : index
      %get3A_132 = arith.constant 0 : index
      %get3A_133 = vector.load %arg11[%get3A_131, %get3A_132] : memref<8x128xf32, #tpu.memory_space<vmem>>, vector<1x128xf32>
      %get3A_134 = arith.constant 0 : index
      %get3A_135 = arith.constant 0 : index
      %get3A_136 = vector.load %arg3[%get3A_134, %get3A_135] : memref<128x64xf32, #tpu.memory_space<vmem>>, vector<128x64xf32>
      %dot_general3A_137 = arith.constant dense<0.000000e+00> : vector<1x64xf32>
      %dot_general3A_138 = tpu.matmul %get3A_133, %get3A_136, %dot_general3A_137 {dimension_numbers = #tpu.dot_dimension_numbers<[1], [0], [0], [1], [0, 0, 1, 1], [], []>, transpose_lhs_hint = false} : vector<1x128xf32>, vector<128x64xf32>, vector<1x64xf32> -> vector<1x64xf32>
      %get3A_139 = arith.constant 0 : index
      %get3A_140 = arith.constant 0 : index
      %get3A_141 = vector.load %arg4[%get3A_139, %get3A_140] : memref<64x16xf32, #tpu.memory_space<vmem>>, vector<64x16xf32>
      %dot_general3A_142 = arith.constant dense<0.000000e+00> : vector<1x16xf32>
      %dot_general3A_143 = tpu.matmul %dot_general3A_138, %get3A_141, %dot_general3A_142 {dimension_numbers = #tpu.dot_dimension_numbers<[1], [0], [0], [1], [0, 0, 1, 1], [], []>, transpose_lhs_hint = false} : vector<1x64xf32>, vector<64x16xf32>, vector<1x16xf32> -> vector<1x16xf32>
      %swap3A_144 = arith.constant 0 : index
      %swap3A_145 = arith.constant 0 : index
      %swap3A_146 = vector.load %arg16[%swap3A_144, %swap3A_145] : memref<1x32xf32, #tpu.memory_space<vmem>>, vector<1x16xf32>
      tpu.vector_store %arg16[%swap3A_144, %swap3A_145], %dot_general3A_143 {strides = array<i32>} : memref<1x32xf32, #tpu.memory_space<vmem>>, vector<1x16xf32>,
      %get3A_147 = arith.constant 0 : index
      %get3A_148 = arith.constant 0 : index
      %get3A_149 = vector.load %arg12[%get3A_147, %get3A_148] : memref<1x128xf32, #tpu.memory_space<vmem>>, vector<1x128xf32>
      %get3A_150 = arith.constant 0 : index
      %get3A_151 = arith.constant 0 : index
      %get3A_152 = vector.load %arg3[%get3A_150, %get3A_151] : memref<128x64xf32, #tpu.memory_space<vmem>>, vector<128x64xf32>
      %dot_general3A_153 = arith.constant dense<0.000000e+00> : vector<1x64xf32>
      %dot_general3A_154 = tpu.matmul %get3A_149, %get3A_152, %dot_general3A_153 {dimension_numbers = #tpu.dot_dimension_numbers<[1], [0], [0], [1], [0, 0, 1, 1], [], []>, transpose_lhs_hint = false} : vector<1x128xf32>, vector<128x64xf32>, vector<1x64xf32> -> vector<1x64xf32>
      %get3A_155 = arith.constant 0 : index
      %get3A_156 = arith.constant 0 : index
      %get3A_157 = vector.load %arg4[%get3A_155, %get3A_156] : memref<64x16xf32, #tpu.memory_space<vmem>>, vector<64x16xf32>
      %dot_general3A_158 = arith.constant dense<0.000000e+00> : vector<1x16xf32>
      %dot_general3A_159 = tpu.matmul %dot_general3A_154, %get3A_157, %dot_general3A_158 {dimension_numbers = #tpu.dot_dimension_numbers<[1], [0], [0], [1], [0, 0, 1, 1], [], []>, transpose_lhs_hint = false} : vector<1x64xf32>, vector<64x16xf32>, vector<1x16xf32> -> vector<1x16xf32>
      %swap3A_160 = arith.constant 0 : index
      %swap3A_161 = arith.constant 16 : index
      %swap3A_162 = vector.load %arg16[%swap3A_160, %swap3A_161] : memref<1x32xf32, #tpu.memory_space<vmem>>, vector<1x16xf32>
      tpu.vector_store %arg16[%swap3A_160, %swap3A_161], %dot_general3A_159 {strides = array<i32>} : memref<1x32xf32, #tpu.memory_space<vmem>>, vector<1x16xf32>,
    } else {
    }
    %get3A = arith.constant 0 : index
    %get3A_2 = arith.constant 0 : index
    %get3A_3 = vector.load %arg1[%get3A, %get3A_2] : memref<4096x128xf32, #tpu.memory_space<vmem>>, vector<4096x128xf32>
    %get3A_4 = arith.constant 0 : index
    %get3A_5 = arith.constant 0 : index
    %get3A_6 = vector.load %arg3[%get3A_4, %get3A_5] : memref<128x64xf32, #tpu.memory_space<vmem>>, vector<128x64xf32>
    %dot_general3A = arith.constant dense<0.000000e+00> : vector<4096x64xf32>
    %dot_general3A_7 = tpu.matmul %get3A_3, %get3A_6, %dot_general3A {dimension_numbers = #tpu.dot_dimension_numbers<[1], [0], [0], [1], [0, 0, 1, 1], [], []>, transpose_lhs_hint = false} : vector<4096x128xf32>, vector<128x64xf32>, vector<4096x64xf32> -> vector<4096x64xf32>
    %get3A_8 = arith.constant 0 : index
    %get3A_9 = arith.constant 0 : index
    %get3A_10 = vector.load %arg4[%get3A_8, %get3A_9] : memref<64x16xf32, #tpu.memory_space<vmem>>, vector<64x16xf32>
    %dot_general3A_11 = arith.constant dense<0.000000e+00> : vector<4096x16xf32>
    %dot_general3A_12 = tpu.matmul %dot_general3A_7, %get3A_10, %dot_general3A_11 {dimension_numbers = #tpu.dot_dimension_numbers<[1], [0], [0], [1], [0, 0, 1, 1], [], []>, transpose_lhs_hint = false} : vector<4096x64xf32>, vector<64x16xf32>, vector<4096x16xf32> -> vector<4096x16xf32>
    %get3A_13 = arith.constant 0 : index
    %get3A_14 = arith.constant 0 : index
    %get3A_15 = vector.load %arg16[%get3A_13, %get3A_14] : memref<1x32xf32, #tpu.memory_space<vmem>>, vector<1x16xf32>
    %broadcast_in_dim3A = vector.shape_cast %get3A_15 : vector<1x16xf32> to vector<1x16xf32>
    %broadcast_in_dim3A_16 = vector.broadcast %broadcast_in_dim3A : vector<1x16xf32> to vector<4096x16xf32>
    %get3A_17 = arith.constant 0 : index
    %get3A_18 = arith.constant 16 : index
    %get3A_19 = vector.load %arg16[%get3A_17, %get3A_18] : memref<1x32xf32, #tpu.memory_space<vmem>>, vector<1x16xf32>
    %broadcast_in_dim3A_20 = vector.shape_cast %get3A_19 : vector<1x16xf32> to vector<1x16xf32>
    %broadcast_in_dim3A_21 = vector.broadcast %broadcast_in_dim3A_20 : vector<1x16xf32> to vector<4096x16xf32>
    %get3A_22 = arith.constant 0 : index
    %get3A_23 = arith.constant 0 : index
    %get3A_24 = vector.load %arg2[%get3A_22, %get3A_23] : memref<4096x1xf32, #tpu.memory_space<vmem>>, vector<4096x1xf32>
    %get3A_25 = arith.constant 0 : index
    %get3A_26 = arith.constant 0 : index
    %get3A_27 = vector.load %arg13[%get3A_25, %get3A_26] : memref<1x128xf32, #tpu.memory_space<vmem>>, vector<1x128xf32>
    %broadcast_in_dim3A_28 = vector.shape_cast %get3A_27 : vector<1x128xf32> to vector<1x128xf32>
    %broadcast_in_dim3A_29 = vector.broadcast %broadcast_in_dim3A_28 : vector<1x128xf32> to vector<4096x128xf32>
    %get3A_30 = arith.constant 0 : index
    %get3A_31 = arith.constant 0 : index
    %get3A_32 = vector.load %arg14[%get3A_30, %get3A_31] : memref<1x128xf32, #tpu.memory_space<vmem>>, vector<1x128xf32>
    %broadcast_in_dim3A_33 = vector.shape_cast %get3A_32 : vector<1x128xf32> to vector<1x128xf32>
    %broadcast_in_dim3A_34 = vector.broadcast %broadcast_in_dim3A_33 : vector<1x128xf32> to vector<4096x128xf32>
    %concatenate3A = tpu.concatenate %broadcast_in_dim3A_16, %dot_general3A_12, %broadcast_in_dim3A_21, %get3A_24, %broadcast_in_dim3A_29, %broadcast_in_dim3A_34 in 1 : vector<4096x16xf32>, vector<4096x16xf32>, vector<4096x16xf32>, vector<4096x1xf32>, vector<4096x128xf32>, vector<4096x128xf32> -> vector<4096x305xf32>
    %get3A_35 = arith.constant 0 : index
    %get3A_36 = arith.constant 0 : index
    %get3A_37 = vector.load %arg5[%get3A_35, %get3A_36] : memref<305x512xf32, #tpu.memory_space<vmem>>, vector<305x512xf32>
    %dot_general3A_38 = arith.constant dense<0.000000e+00> : vector<4096x512xf32>
    %dot_general3A_39 = tpu.matmul %concatenate3A, %get3A_37, %dot_general3A_38 {dimension_numbers = #tpu.dot_dimension_numbers<[1], [0], [0], [1], [0, 0, 1, 1], [], []>, transpose_lhs_hint = false} : vector<4096x305xf32>, vector<305x512xf32>, vector<4096x512xf32> -> vector<4096x512xf32>
    %get3A_40 = arith.constant 0 : index
    %get3A_41 = arith.constant 0 : index
    %get3A_42 = vector.load %arg6[%get3A_40, %get3A_41] : memref<1x512xf32, #tpu.memory_space<vmem>>, vector<1x512xf32>
    %add3A = vector.broadcast %get3A_42 : vector<1x512xf32> to vector<4096x512xf32>
    %add3A_43 = arith.addf %dot_general3A_39, %add3A : vector<4096x512xf32>
    %ge3A = arith.constant 0.000000e+00 : f32
    %ge3A_44 = vector.broadcast %ge3A : f32 to vector<4096x512xf32>
    %ge3A_45 = arith.cmpf oge, %add3A_43, %ge3A_44 : vector<4096x512xf32>
    %mul3A = arith.constant 0.00999999977 : f32
    %mul3A_46 = vector.broadcast %mul3A : f32 to vector<4096x512xf32>
    %mul3A_47 = arith.mulf %mul3A_46, %add3A_43 : vector<4096x512xf32>
    %select_n3A = arith.select %ge3A_45, %add3A_43, %mul3A_47 : vector<4096x512xi1>, vector<4096x512xf32>
    %get3A_48 = arith.constant 0 : index
    %get3A_49 = arith.constant 0 : index
    %get3A_50 = vector.load %arg7[%get3A_48, %get3A_49] : memref<512x32xf32, #tpu.memory_space<vmem>>, vector<512x32xf32>
    %dot_general3A_51 = arith.constant dense<0.000000e+00> : vector<4096x32xf32>
    %dot_general3A_52 = tpu.matmul %select_n3A, %get3A_50, %dot_general3A_51 {dimension_numbers = #tpu.dot_dimension_numbers<[1], [0], [0], [1], [0, 0, 1, 1], [], []>, transpose_lhs_hint = false} : vector<4096x512xf32>, vector<512x32xf32>, vector<4096x32xf32> -> vector<4096x32xf32>
    %get3A_53 = arith.constant 0 : index
    %get3A_54 = arith.constant 0 : index
    %get3A_55 = vector.load %arg8[%get3A_53, %get3A_54] : memref<1x32xf32, #tpu.memory_space<vmem>>, vector<1x32xf32>
    %add3A_56 = vector.broadcast %get3A_55 : vector<1x32xf32> to vector<4096x32xf32>
    %add3A_57 = arith.addf %dot_general3A_52, %add3A_56 : vector<4096x32xf32>
    %ge3A_58 = arith.constant 0.000000e+00 : f32
    %ge3A_59 = vector.broadcast %ge3A_58 : f32 to vector<4096x32xf32>
    %ge3A_60 = arith.cmpf oge, %add3A_57, %ge3A_59 : vector<4096x32xf32>
    %mul3A_61 = arith.constant 0.00999999977 : f32
    %mul3A_62 = vector.broadcast %mul3A_61 : f32 to vector<4096x32xf32>
    %mul3A_63 = arith.mulf %mul3A_62, %add3A_57 : vector<4096x32xf32>
    %select_n3A_64 = arith.select %ge3A_60, %add3A_57, %mul3A_63 : vector<4096x32xi1>, vector<4096x32xf32>
    %transpose3A = tpu.transpose %select_n3A_64, [1, 0] : vector<4096x32xf32> -> vector<32x4096xf32>
    %get3A_65 = arith.constant 0 : index
    %get3A_66 = arith.constant 0 : index
    %get3A_67 = vector.load %arg9[%get3A_65, %get3A_66] : memref<1x32xf32, #tpu.memory_space<vmem>>, vector<1x32xf32>
    %slice3A = vector.extract_strided_slice %transpose3A {offsets = [0, 0], sizes = [32, 1024], strides = [1, 1]} : vector<32x4096xf32> to vector<32x1024xf32>
    %dot_general3A_68 = arith.constant dense<0.000000e+00> : vector<1x1024xf32>
    %dot_general3A_69 = tpu.matmul %get3A_67, %slice3A, %dot_general3A_68 {dimension_numbers = #tpu.dot_dimension_numbers<[1], [0], [0], [1], [0, 0, 1, 1], [], []>, transpose_lhs_hint = false} : vector<1x32xf32>, vector<32x1024xf32>, vector<1x1024xf32> -> vector<1x1024xf32>
    %get3A_70 = arith.constant 0 : index
    %get3A_71 = arith.constant 0 : index
    %get3A_72 = vector.load %arg10[%get3A_70, %get3A_71] : memref<1x1xf32, #tpu.memory_space<vmem>>, vector<1x1xf32>
    %add3A_73 = vector.broadcast %get3A_72 : vector<1x1xf32> to vector<1x1024xf32>
    %add3A_74 = arith.addf %dot_general3A_69, %add3A_73 : vector<1x1024xf32>
    %swap3A = arith.constant 0 : index
    %swap3A_75 = arith.constant 0 : index
    %swap3A_76 = arith.constant 0 : index
    %swap3A_77 = vector.load %arg15[%swap3A, %swap3A_75, %swap3A_76] : memref<4x1x1024xf32, #tpu.memory_space<vmem>>, vector<1x1x1024xf32>
    %swap3A_78 = vector.shape_cast %swap3A_77 : vector<1x1x1024xf32> to vector<1x1024xf32>
    %swap3A_79 = vector.shape_cast %add3A_74 : vector<1x1024xf32> to vector<1x1x1024xf32>
    tpu.vector_store %arg15[%swap3A, %swap3A_75, %swap3A_76], %swap3A_79 {strides = array<i32>} : memref<4x1x1024xf32, #tpu.memory_space<vmem>>, vector<1x1x1024xf32>,
    %get3A_80 = arith.constant 0 : index
    %get3A_81 = arith.constant 0 : index
    %get3A_82 = vector.load %arg9[%get3A_80, %get3A_81] : memref<1x32xf32, #tpu.memory_space<vmem>>, vector<1x32xf32>
    %slice3A_83 = vector.extract_strided_slice %transpose3A {offsets = [0, 1024], sizes = [32, 1024], strides = [1, 1]} : vector<32x4096xf32> to vector<32x1024xf32>
    %dot_general3A_84 = arith.constant dense<0.000000e+00> : vector<1x1024xf32>
    %dot_general3A_85 = tpu.matmul %get3A_82, %slice3A_83, %dot_general3A_84 {dimension_numbers = #tpu.dot_dimension_numbers<[1], [0], [0], [1], [0, 0, 1, 1], [], []>, transpose_lhs_hint = false} : vector<1x32xf32>, vector<32x1024xf32>, vector<1x1024xf32> -> vector<1x1024xf32>
    %get3A_86 = arith.constant 0 : index
    %get3A_87 = arith.constant 0 : index
    %get3A_88 = vector.load %arg10[%get3A_86, %get3A_87] : memref<1x1xf32, #tpu.memory_space<vmem>>, vector<1x1xf32>
    %add3A_89 = vector.broadcast %get3A_88 : vector<1x1xf32> to vector<1x1024xf32>
    %add3A_90 = arith.addf %dot_general3A_85, %add3A_89 : vector<1x1024xf32>
    %swap3A_91 = arith.constant 1 : index
    %swap3A_92 = arith.constant 0 : index
    %swap3A_93 = arith.constant 0 : index
    %swap3A_94 = vector.load %arg15[%swap3A_91, %swap3A_92, %swap3A_93] : memref<4x1x1024xf32, #tpu.memory_space<vmem>>, vector<1x1x1024xf32>
    %swap3A_95 = vector.shape_cast %swap3A_94 : vector<1x1x1024xf32> to vector<1x1024xf32>
    %swap3A_96 = vector.shape_cast %add3A_90 : vector<1x1024xf32> to vector<1x1x1024xf32>
    tpu.vector_store %arg15[%swap3A_91, %swap3A_92, %swap3A_93], %swap3A_96 {strides = array<i32>} : memref<4x1x1024xf32, #tpu.memory_space<vmem>>, vector<1x1x1024xf32>,
    %get3A_97 = arith.constant 0 : index
    %get3A_98 = arith.constant 0 : index
    %get3A_99 = vector.load %arg9[%get3A_97, %get3A_98] : memref<1x32xf32, #tpu.memory_space<vmem>>, vector<1x32xf32>
    %slice3A_100 = vector.extract_strided_slice %transpose3A {offsets = [0, 2048], sizes = [32, 1024], strides = [1, 1]} : vector<32x4096xf32> to vector<32x1024xf32>
    %dot_general3A_101 = arith.constant dense<0.000000e+00> : vector<1x1024xf32>
    %dot_general3A_102 = tpu.matmul %get3A_99, %slice3A_100, %dot_general3A_101 {dimension_numbers = #tpu.dot_dimension_numbers<[1], [0], [0], [1], [0, 0, 1, 1], [], []>, transpose_lhs_hint = false} : vector<1x32xf32>, vector<32x1024xf32>, vector<1x1024xf32> -> vector<1x1024xf32>
    %get3A_103 = arith.constant 0 : index
    %get3A_104 = arith.constant 0 : index
    %get3A_105 = vector.load %arg10[%get3A_103, %get3A_104] : memref<1x1xf32, #tpu.memory_space<vmem>>, vector<1x1xf32>
    %add3A_106 = vector.broadcast %get3A_105 : vector<1x1xf32> to vector<1x1024xf32>
    %add3A_107 = arith.addf %dot_general3A_102, %add3A_106 : vector<1x1024xf32>
    %swap3A_108 = arith.constant 2 : index
    %swap3A_109 = arith.constant 0 : index
    %swap3A_110 = arith.constant 0 : index
    %swap3A_111 = vector.load %arg15[%swap3A_108, %swap3A_109, %swap3A_110] : memref<4x1x1024xf32, #tpu.memory_space<vmem>>, vector<1x1x1024xf32>
    %swap3A_112 = vector.shape_cast %swap3A_111 : vector<1x1x1024xf32> to vector<1x1024xf32>
    %swap3A_113 = vector.shape_cast %add3A_107 : vector<1x1024xf32> to vector<1x1x1024xf32>
    tpu.vector_store %arg15[%swap3A_108, %swap3A_109, %swap3A_110], %swap3A_113 {strides = array<i32>} : memref<4x1x1024xf32, #tpu.memory_space<vmem>>, vector<1x1x1024xf32>,
    %get3A_114 = arith.constant 0 : index
    %get3A_115 = arith.constant 0 : index
    %get3A_116 = vector.load %arg9[%get3A_114, %get3A_115] : memref<1x32xf32, #tpu.memory_space<vmem>>, vector<1x32xf32>
    %slice3A_117 = vector.extract_strided_slice %transpose3A {offsets = [0, 3072], sizes = [32, 1024], strides = [1, 1]} : vector<32x4096xf32> to vector<32x1024xf32>
    %dot_general3A_118 = arith.constant dense<0.000000e+00> : vector<1x1024xf32>
    %dot_general3A_119 = tpu.matmul %get3A_116, %slice3A_117, %dot_general3A_118 {dimension_numbers = #tpu.dot_dimension_numbers<[1], [0], [0], [1], [0, 0, 1, 1], [], []>, transpose_lhs_hint = false} : vector<1x32xf32>, vector<32x1024xf32>, vector<1x1024xf32> -> vector<1x1024xf32>
    %get3A_120 = arith.constant 0 : index
    %get3A_121 = arith.constant 0 : index
    %get3A_122 = vector.load %arg10[%get3A_120, %get3A_121] : memref<1x1xf32, #tpu.memory_space<vmem>>, vector<1x1xf32>
    %add3A_123 = vector.broadcast %get3A_122 : vector<1x1xf32> to vector<1x1024xf32>
    %add3A_124 = arith.addf %dot_general3A_119, %add3A_123 : vector<1x1024xf32>
    %swap3A_125 = arith.constant 3 : index
    %swap3A_126 = arith.constant 0 : index
    %swap3A_127 = arith.constant 0 : index
    %swap3A_128 = vector.load %arg15[%swap3A_125, %swap3A_126, %swap3A_127] : memref<4x1x1024xf32, #tpu.memory_space<vmem>>, vector<1x1x1024xf32>
    %swap3A_129 = vector.shape_cast %swap3A_128 : vector<1x1x1024xf32> to vector<1x1024xf32>
    %swap3A_130 = vector.shape_cast %add3A_124 : vector<1x1024xf32> to vector<1x1x1024xf32>
    tpu.vector_store %arg15[%swap3A_125, %swap3A_126, %swap3A_127], %swap3A_130 {strides = array<i32>} : memref<4x1x1024xf32, #tpu.memory_space<vmem>>, vector<1x1x1024xf32>,
    return
  }
  func.func @transform_0(%arg0: i32) -> (i32, i32) {
    %c0_i32 = arith.constant 0 : i32
    %c0_i32_0 = arith.constant 0 : i32
    return %arg0, %c0_i32 : i32, i32
  }
  func.func @transform_1(%arg0: i32) -> (i32, i32) {
    %add3A = arith.constant 2 : i32
    %add3A_0 = arith.addi %arg0, %add3A : i32
    %c0_i32 = arith.constant 0 : i32
    %c0_i32_1 = arith.constant 0 : i32
    return %add3A_0, %c0_i32 : i32, i32
  }
  func.func @transform_2(%arg0: i32) -> (i32, i32) {
    %c0_i32 = arith.constant 0 : i32
    %c0_i32_0 = arith.constant 0 : i32
    %c0_i32_1 = arith.constant 0 : i32
    return %c0_i32, %c0_i32_0 : i32, i32
  }
  func.func @transform_3(%arg0: i32) -> (i32, i32) {
    %c0_i32 = arith.constant 0 : i32
    %c0_i32_0 = arith.constant 0 : i32
    %c0_i32_1 = arith.constant 0 : i32
    return %c0_i32, %c0_i32_0 : i32, i32
  }
  func.func @transform_4(%arg0: i32) -> (i32, i32) {
    %c0_i32 = arith.constant 0 : i32
    %c0_i32_0 = arith.constant 0 : i32
    %c0_i32_1 = arith.constant 0 : i32
    return %c0_i32, %c0_i32_0 : i32, i32
  }
  func.func @transform_5(%arg0: i32) -> (i32, i32) {
    %c0_i32 = arith.constant 0 : i32
    %c0_i32_0 = arith.constant 0 : i32
    %c0_i32_1 = arith.constant 0 : i32
    return %c0_i32, %c0_i32_0 : i32, i32
  }
  func.func @transform_6(%arg0: i32) -> (i32, i32) {
    %c0_i32 = arith.constant 0 : i32
    %c0_i32_0 = arith.constant 0 : i32
    %c0_i32_1 = arith.constant 0 : i32
    return %c0_i32, %c0_i32_0 : i32, i32
  }
  func.func @transform_7(%arg0: i32) -> (i32, i32) {
    %c0_i32 = arith.constant 0 : i32
    %c0_i32_0 = arith.constant 0 : i32
    %c0_i32_1 = arith.constant 0 : i32
    return %c0_i32, %c0_i32_0 : i32, i32
  }
  func.func @transform_8(%arg0: i32) -> (i32, i32) {
    %c0_i32 = arith.constant 0 : i32
    %c0_i32_0 = arith.constant 0 : i32
    %c0_i32_1 = arith.constant 0 : i32
    return %c0_i32, %c0_i32_0 : i32, i32
  }
  func.func @transform_9(%arg0: i32) -> (i32, i32) {
    %c0_i32 = arith.constant 0 : i32
    %c0_i32_0 = arith.constant 0 : i32
    %c0_i32_1 = arith.constant 0 : i32
    return %c0_i32, %c0_i32_0 : i32, i32
  }
  func.func @transform_10(%arg0: i32) -> (i32, i32) {
    %c0_i32 = arith.constant 0 : i32
    %c0_i32_0 = arith.constant 0 : i32
    %c0_i32_1 = arith.constant 0 : i32
    return %c0_i32, %c0_i32_0 : i32, i32
  }
  func.func @transform_11(%arg0: i32) -> (i32, i32) {
    %c0_i32 = arith.constant 0 : i32
    %c0_i32_0 = arith.constant 0 : i32
    %c0_i32_1 = arith.constant 0 : i32
    return %c0_i32, %c0_i32_0 : i32, i32
  }
  func.func @transform_12(%arg0: i32) -> (i32, i32) {
    %c0_i32 = arith.constant 0 : i32
    %c0_i32_0 = arith.constant 0 : i32
    %c0_i32_1 = arith.constant 0 : i32
    return %c0_i32, %c0_i32_0 : i32, i32
  }
  func.func @transform_13(%arg0: i32) -> (i32, i32) {
    %c0_i32 = arith.constant 0 : i32
    %c0_i32_0 = arith.constant 0 : i32
    %c0_i32_1 = arith.constant 0 : i32
    return %c0_i32, %c0_i32_0 : i32, i32
  }
  func.func @transform_14(%arg0: i32) -> (i32, i32, i32) {
    %c0_i32 = arith.constant 0 : i32
    %c0_i32_0 = arith.constant 0 : i32
    %c0_i32_1 = arith.constant 0 : i32
    return %arg0, %c0_i32, %c0_i32_0 : i32, i32, i32
  }
}

</mosaic_0001>

<sc_bundles>
// kernel: kernel.10.cloned.1.call-start
scs
__scs_entry_jumppad:
0x0: {  	(pc) =	sbr.rel $0x88, $3  }
0x1: {  	(tag) =	ssettag $0x0;
	lr =	simm.s32 $0x1  }
0x2: {  	[smem:$0x3F92] =	sst lr;
	_ =	strace $0xD0000000  }
0x3: {  	_ = 	snop  }
0x4: {  	_ = 	snop  }
0x5: {  	_ = 	snop  }
0x6: {  	_ = 	snop  }
0x7: {  	_ = 	snop  }
__scs_overlays_trampoline_lowered:
0x8: {  	[smem:$0x3FA1] =	sst s0  }
0x9: {  	[smem:$0x3FA2] =	sst s1  }
0xa: {  	[smem:$0x3FA3] =	sst s2  }
0xb: {  	[smem:$0x3FA4] =	sst s3  }
0xc: {  	[smem:$0x3FA5] =	sst s4  }
0xd: {  	[smem:$0x3FA6] =	sst s5  }
0xe: {  	[smem:$0x3FA7] =	sst s6  }
0xf: {  	[smem:$0x3FA8] =	sst s7  }
0x10: {  	[smem:$0x3FA9] =	sst s8  }
0x11: {  	[smem:$0x3FAA] =	sst s9;
	s0 =	simm.s32 @!p0 $0x0  }
0x12: {  	s1 =	sld [smem:$0x3F90];
	s0 =	simm.s32 @p0 $0x1  }
0x13: {  	[smem:$0x3FAB] =	sst s0;
	s0 =	simm.s32 @!p1 $0x0  }
0x14: {  	s2 =	sld [smem:$0x3F8F];
	s0 =	simm.s32 @p1 $0x1  }
0x15: {  	[smem:$0x3FAC] =	sst s0;
	s0 =	simm.s32 @!p2 $0x0  }
0x16: {  	s3 =	sld [smem:$0x3FDB];
	s0 =	simm.s32 @p2 $0x1  }
0x17: {  	s4 =	simm.s32 $0x1BF5;
	[smem:$0x3FAE] =	sst s0  }
0x18: {  	s0 =	sld [smem:$0x3F91];
	_ =	swait.ge [sflag:s4], $0x0  }
0x19: {  	s7 =	sld [smem:$0x3F92]  }
0x1a: {  	s8 =	sadd.s32 $0xFFFFE003, lr  }
0x1b: {  	s9 =	sadd.s32 $0xFFFFFEF7, lr;
	s5 =	simm.s32 $0xFFFFFFFF;
	p2 =	slt.u32 s8, $0xFFFFF086  }
0x1c: {  	p1 =	slt.u32 s9, $0xF7A;
	s5 =	simm.s32 @!p2 $0x0  }
0x1d: {  	s5 =	simm.s32 @p1 $0x1;
	p0 =	seq.s32 s7, s2  }
0x1e: {  	s7 =	smul.u32 @!p0 $0xF7A, s2;
	p2 =	seq.s32 @!p0 s5, $0x0  }
0x1f: {  	s9 =	smul.u32 $0xF7A, s1;
	s8 =	simm.s32 @!p0 $0x1BF5;
	p2 =	por !p2, p0  }
0x20: {  	[sflag:s8] =	ssyncset.s32 @!p0 $0xFFFFF086;
	s6 =	sadd.s32 @!p0 s3, s7;
	s7 =	simm.s32 @!p0 $0x108  }
0x21: {  	s3 =	sadd.s32 s3, s9;
	s6 =	sadd.s32 @!p0 $0x88, s6;
	s7 =	simm.s32 @p2 $0x1082  }
0x22: {  	[simem:s7], [sflag:s8] =	dma.local @!p0 [hbm:s6], $0xF7A  }
0x23: {  	s9 =	sor.u32 $0xD0000000, s2;
	s6 =	simm.s32 $0x108;
	_ =	swait.ge @!p0 [sflag:s8], $0x0  }
0x24: {  	s3 =	sadd.s32 $0x88, s3;
	s6 =	simm.s32 @!p1 $0x1082;
	[sflag:s4] =	ssyncset.s32 $0xFFFFF086  }
0x25: {  	[simem:s6], [sflag:s4] =	dma.local [hbm:s3], $0xF7A  }
0x26: {  	[smem:$0x3F92] =	sst s1;
	(tag) =	ssettag s2;
	_ =	strace s9  }
0x27: {  	s1 =	sld [smem:$0x3FA2]  }
0x28: {  	s2 =	sld [smem:$0x3FA3]  }
0x29: {  	s4 =	sld [smem:$0x3FA5]  }
0x2a: {  	p0 =	seq.s32 s5, $0x0;
	s5 =	sld [smem:$0x3FA6]  }
0x2b: {  	s6 =	sld [smem:$0x3FA7]  }
0x2c: {  	s7 =	sld [smem:$0x3FA8]  }
0x2d: {  	s3 =	simm.s32 $0x108;
	s8 =	sld [smem:$0x3FA9]  }
0x2e: {  	s3 =	simm.s32 @!p0 $0x1082;
	s9 =	sld [smem:$0x3FAA]  }
0x2f: {  	lr =	sadd.s32 s0, s3;
	s0 =	sld [smem:$0x3FA1]  }
0x30: {  	s3 =	sld [smem:$0x3FA4]  }
0x31: {  	[smem:$0x3FAD] =	sst s10  }
0x32: {  	s10 =	sld [smem:$0x3FAB];
	_ =	sdelay $0x3  }
0x33: {  	p0 =	seq.s32 s10, $0x1;
	s10 =	sld [smem:$0x3FAD];
	_ =	sdelay $0x3  }
0x34: {  	[smem:$0x3FAD] =	sst s10  }
0x35: {  	s10 =	sld [smem:$0x3FAC];
	_ =	sdelay $0x3  }
0x36: {  	p1 =	seq.s32 s10, $0x1;
	s10 =	sld [smem:$0x3FAD];
	_ =	sdelay $0x3  }
0x37: {  	[smem:$0x3FAD] =	sst s10  }
0x38: {  	s10 =	sld [smem:$0x3FAE]  }
0x39: {  	_ = 	snop;
	(pc) =	sbr.ind lr, $3  }
0x3a: {  	_ = 	snop  }
0x3b: {  	_ = 	snop  }
0x3c: {  	p2 =	seq.s32 s10, $0x1;
	s10 =	sld [smem:$0x3FAD]  }
0x3d: {  	_ =	shalt  }
0x3e: {  	_ =	shalt  }
0x3f: {  	_ =	shalt  }
0x40: {  	_ =	shalt  }
0x41: {  	_ =	shalt  }
0x42: {  	_ =	shalt  }
0x43: {  	_ =	shalt  }
0x44: {  	_ =	shalt  }
0x45: {  	_ =	shalt  }
0x46: {  	_ =	shalt  }
0x47: {  	_ =	shalt  }
0x48: {  	_ =	shalt  }
0x49: {  	_ =	shalt  }
0x4a: {  	_ =	shalt  }
0x4b: {  	_ =	shalt  }
0x4c: {  	_ =	shalt  }
0x4d: {  	_ =	shalt  }
0x4e: {  	_ =	shalt  }
0x4f: {  	_ =	shalt  }
0x50: {  	_ =	shalt  }
0x51: {  	_ =	shalt  }
0x52: {  	_ =	shalt  }
0x53: {  	_ =	shalt  }
0x54: {  	_ =	shalt  }
0x55: {  	_ =	shalt  }
0x56: {  	_ =	shalt  }
0x57: {  	_ =	shalt  }
0x58: {  	_ =	shalt  }
0x59: {  	_ =	shalt  }
0x5a: {  	_ =	shalt  }
0x5b: {  	_ =	shalt  }
0x5c: {  	_ =	shalt  }
0x5d: {  	_ =	shalt  }
0x5e: {  	_ =	shalt  }
0x5f: {  	_ =	shalt  }
0x60: {  	_ =	shalt  }
0x61: {  	_ =	shalt  }
0x62: {  	_ =	shalt  }
0x63: {  	_ =	shalt  }
0x64: {  	_ =	shalt  }
0x65: {  	_ =	shalt  }
0x66: {  	_ =	shalt  }
0x67: {  	_ =	shalt  }
0x68: {  	_ =	shalt  }
0x69: {  	_ =	shalt  }
0x6a: {  	_ =	shalt  }
0x6b: {  	_ =	shalt  }
0x6c: {  	_ =	shalt  }
0x6d: {  	_ =	shalt  }
0x6e: {  	_ =	shalt  }
0x6f: {  	_ =	shalt  }
0x70: {  	_ =	shalt  }
0x71: {  	_ =	shalt  }
0x72: {  	_ =	shalt  }
0x73: {  	_ =	shalt  }
0x74: {  	_ =	shalt  }
0x75: {  	_ =	shalt  }
0x76: {  	_ =	shalt  }
0x77: {  	_ =	shalt  }
0x78: {  	_ =	shalt  }
0x79: {  	_ =	shalt  }
0x7a: {  	_ =	shalt  }
0x7b: {  	_ =	shalt  }
0x7c: {  	_ =	shalt  }
0x7d: {  	_ =	shalt  }
0x7e: {  	_ =	shalt  }
0x7f: {  	_ =	shalt  }
0x80: {  	_ =	shalt  }
0x81: {  	_ =	shalt  }
0x82: {  	_ =	shalt  }
0x83: {  	_ =	shalt  }
0x84: {  	_ =	shalt  }
0x85: {  	_ =	shalt  }
0x86: {  	_ =	shalt  }
0x87: {  	_ =	shalt  }
.Lfunc_end0:
.L_simem_size_0:
called_computation.1_lowered:
.L_overlay_start_0:
0x88: {  	s2 =	sld [smem:$0x3FD9]  }
0x89: {  	s3 =	sld [smem:$0x3FFE];
	_ =	sdelay $0x1  }
0x8a: {  	s1 =	srdreg.scid  }
0x8b: {  	s0 =	sand.u32 $0x1, s1  }
0x8c: {  	s17 =	sshll.u32 s0, $0xA;
	s2 =	sadd.s32 s3, s2  }
0x8d: {  	s2 =	sadd.s32 s2, s17  }
0x8e: {  	[smem:$0x3FB9] =	sst s2  }
0x8f: {  	_ = 	snop  }
0x90: {  	s18 =	sld [smem:$0x3FC7]  }
0x91: {  	s4 =	sld [smem:$0x3FC6];
	(tm) =	ssettm $0x1  }
0x92: {  	s19 =	sld [smem:$0x3FFB];
	_ =	sdelay $0x3  }
0x93: {  	_ =	strace s19  }
0x94: {  	s2 =	sld [smem:$0x3FFC];
	_ =	sdelay $0x3  }
0x95: {  	_ =	strace s2  }
0x96: {  	s2 =	sld [smem:$0x3FFD];
	_ =	sdelay $0x3  }
0x97: {  	_ =	strace s2  }
0x98: {  	_ =	strace $0x8FFFFFFF  }
0x99: {  	s20 =	sld [smem:$0x3FDB];
	_ =	sdelay $0x1  }
0x9a: {  	s5 =	simm.s32 $_scs_section_size  }
0x9b: {  	s6 =	simm.s32 $_size__tile_overlayer_lowered;
	s7 =	simm.s32 $_tile_overlayer_lowered  }
0x9c: {  	s8 =	simm.s32 $0x1BFF;
	s21 =	sshll.u32 s7, $0x1;
	s5 =	sadd.s32 s5, s20  }
0x9d: {  	s22 =	simm.s32 $0x0;
	s6 =	sshll.u32 s6, $0x1;
	s7 =	sadd.s32 s21, s5  }
0x9e: {  	[timem:s22], [sflag:s8] =	dma.local [hbm:s7], s6  }
0x9f: {  	_ =	swait.ge [sflag:s8], s6  }
0xa0: {  	s6 =	ssub.s32 $0x0, s6;
	[sflag:s8] =	ssyncset.done $0x0  }
0xa1: {  	[sflag:s8] =	ssyncadd.s32 s6;
	_ =	sdelay $0x1  }
0xa2: {  	s23 =	simm.s32 $0x1B8B  }
0xa3: {  	_ =	swait.ge [sflag:s23], $0x1  }
0xa4: {  	[sflag:s23] =	ssyncset.done $0x0  }
0xa5: {  	[sflag:s23] =	ssyncadd.s32 $0xFFFFFFFF  }
0xa6: {  	s6 =	sld [smem:$0x0]  }
0xa7: {  	s7 =	sand.u32 $0xFFFFFFFE, s1  }
0xa8: {  	p0 =	sne.s32 s1, s7  }
0xa9: {  	s7 =	sshll.u32 @p0 s7, $0xE  }
0xaa: {  	s7 =	sadd.s32 @p0 $0x11B8D, s7;
	s8 =	sshll.u32 @p0 s6, $0x11  }
0xab: {  	s7 =	sor.u32 @p0 s8, s7  }
0xac: {  	[sflag:s7] =	ssyncadd.remote.s32 @p0 $0x1;
	_ =	sdelay $0x1  }
0xad: {  	s7 =	simm.s32 @p0 $0x1B8D  }
0xae: {  	_ =	swait.eq @p0 [sflag:s7], $0x1  }
0xaf: {  	[sflag:s7] =	ssyncadd.s32 @p0 $0xFFFFFFFF  }
0xb0: {  	s8 =	sshll.u32 @!p0 s1, $0xE  }
0xb1: {  	s8 =	sor.u32 @!p0 $0x4000, s8;
	s7 =	simm.s32 @!p0 $0x1B8D  }
0xb2: {  	s6 =	sshll.u32 @!p0 s6, $0x11;
	s8 =	sadd.s32 @!p0 $0x11B8D, s8;
	_ =	swait.eq @!p0 [sflag:s7], $0x1  }
0xb3: {  	s6 =	sor.u32 @!p0 s6, s8;
	[sflag:s7] =	ssyncadd.s32 @!p0 $0xFFFFFFFF  }
0xb4: {  	s25 =	simm.s32 $0x1B8E;
	s24 =	sld [smem:$0x3FFE];
	[sflag:s6] =	ssyncadd.remote.s32 @!p0 $0x1  }
0xb5: {  	s26 =	simm.s32 $execute0_lowered;
	[smem:$0x3FD2] =	sst s25  }
0xb6: {  	s7 =	sshll.u32 s26, $0x1;
	_ =	strace $0x80000049;
	[dreg:$0x1] =	wrdreg $0xFFFFFFFF  }
0xb7: {  	s28 =	simm.s32 $_size_execute0_lowered;
	s5 =	sadd.s32 s5, s7;
	[dreg:$0x0] =	wrdreg $0x0  }
0xb8: {  	s7 =	sshll.u32 s28, $0x1;
	[dreg:$0x2] =	wrdreg s5  }
0xb9: {  	[dreg:$0x3] =	wrdreg s7  }
0xba: {  	[dreg:$0x4] =	wrdreg $0xC0  }
0xbb: {  	_ =	task [dreg:s22], $0x5FFFF  }
0xbc: {  	[dreg:$0x1] =	wrdreg $0xFFFFFFFF  }
0xbd: {  	[dreg:$0x0] =	wrdreg $0x60  }
0xbe: {  	[dreg:$0x2] =	wrdreg s4  }
0xbf: {  	[dreg:$0x3] =	wrdreg s18  }
0xc0: {  	[dreg:$0x4] =	wrdreg s24  }
0xc1: {  	[dreg:$0x5] =	wrdreg $0xA  }
0xc2: {  	_ =	task.clear_ibuf [dreg:s22], $0x6FFFF;
	_ =	strace $0x90000049  }
0xc3: {  	s29 =	simm.s32 $0xA;
	_ =	strace $0x8000004B  }
0xc4: {  	_ =	swait.ge [sflag:s29], $0x1  }
0xc5: {  	[sflag:s29] =	ssyncadd.s32 $0xFFFFFFFF  }
0xc6: {  	_ =	strace $0x9000004B  }
0xc7: {  	_ =	sfence  }
0xc8: {  	s30 =	sld [smem:$0x0];
	_ =	sdelay $0x2  }
0xc9: {  	s31 =	sshll.u32 s1, $0xD;
	s1 =	sshrl.u32 s1, $0x2  }
0xca: {  	s4 =	sand.u32 $0x4000, s31;
	s1 =	sadd.s32 s1, s30  }
0xcb: {  	s0 =	sor.u32 s4, s0;
	s1 =	sshll.u32 s1, $0x11  }
0xcc: {  	s0 =	sor.u32 s1, s0  }
0xcd: {  	s0 =	sadd.s32 $0x8F2B, s0  }
0xce: {  	[sflag:s0] =	ssyncadd.remote.s32 $0x1  }
0xcf: {  	_ =	sfence.sel $0xFFFF  }
0xd0: {  	[dreg:$0x0] =	wrdreg $0xFFFFFFFF;
	(pc) =	sbr.abs _section_cstart, $3  }
0xd1: {  	[dreg:$0x1] =	wrdreg $0xFFFFFFFF  }
0xd2: {  	_ =	task.clear_ibuf [dreg:s22], $0x2FFFF;
	_ =	strace $0x9FFFFFFF  }
0xd3: {  	(tm) =	ssettm $0x7FFFFFFF  }
tec
execute0_lowered:
.L_overlay_start_1:
0x0: {  	(tag) =	ssettag $0x1  }
0x1: {  	s2 =	srdreg.scid  }
0x2: {  	s1 =	rddreg [dreg:$0x0];
	s0 =	stileid.u32;
	s10 =	sand.u32 $0x1, s2  }
0x3: {  	s4 =	rddreg [dreg:$0x1];
	s29 =	sshll.u32 s0, $0x9;
	s3 =	sshll.u32 s10, $0x8  }
0x4: {  	s11 =	rddreg [dreg:$0x2];
	s12 =	sor.u32 s3, s29  }
0x5: {  	s2 =	rddreg [dreg:$0x3];
	s3 =	simm.s32 $0x0;
	s5 =	sshrl.u32 s12, $0x3  }
0x6: {  	[smem:$0x7FF] =	sst s3;
	s4 =	sadd.s32 s5, s4  }
0x7: {  	_ =	strace $0x8000004A;
	s5 =	sadd.s32 $0x400, s4;
	s4 =	simm.s32 $0x2  }
0x8: {  	[tilespmem:s3], [sflag:$0x2] =	stream.linear.gather [hbm4b:s5+s3], $0x100, $0x38;
	[tilespmem:$0x8100] =	vst v63  }
0x9: {  	_ =	swait.ge [sflag:s4], $0x100  }
0xa: {  	[sflag:s4] =	ssyncset.done $0x0  }
0xb: {  	s6 =	simm.s32 $0x80;
	s7 =	simm.s32 $0x100;
	[sflag:s4] =	ssyncadd.s32 $0xFFFFFF00  }
0xc: {  	[tilespmem:s7], [sflag:$0x1] =	stream.indirect.gather [hbm4b:s1+s6], $0x80, s3, s6, $0xb8;
	[tilespmem:$0x8100] =	vst v63  }
0xd: {  	s8 =	simm.s32 $0x4100;
	s9 =	simm.s32 $0x1;
	s10 =	ssub.s32 $0x2, s10  }
0xe: {  	[tilespmem:s8], [sflag:$0x1] =	stream.indirect.gather [hbm4b:s1+s6], $0x80, s6, s6, $0xb8;
	[tilespmem:$0x8100] =	vst v63  }
0xf: {  	s13 =	sshrl.u32 s10, $0x1;
	_ =	swait.ge [sflag:s9], $0x4000  }
0x10: {  	s30 =	ssub.s32 s10, s13;
	[sflag:s9] =	ssyncset.done $0x0  }
0x11: {  	s31 =	smax.u32 s30, $0x1;
	[sflag:s9] =	ssyncadd.s32 $0xFFFFC000  }
0x12: {  	s12 =	sshll.u32 s12, $0x4;
	p0 =	sne.s32 s31, $0x1;
	_ =	swait.ge [sflag:s9], $0x4000  }
.Ltmp0:
0x13: {  	s11 =	sadd.s32 s12, s11;
	[sflag:s9] =	ssyncset.done $0x0;
	(pc) =	sbr.rel @!p0 .LBB2_2-.Ltmp0, $4  }
0x14: {  	s10 =	sadd.s32 $0x22A00, s11;
	[sflag:s9] =	ssyncadd.s32 $0xFFFFC000  }
0x15: {  	[hbm4b:s10+s3] =	stream.linear.scatter [tilespmem:s7], [sflag:$0x2], $0x8000, $0x38;
	[tilespmem:$0x8100] =	vst v63  }
0x16: {  	_ =	swait.ge [sflag:s4], $0x8000  }
0x17: {  	s11 =	sadd.s32 $0xFFFFFFFF, s31;
	[sflag:s4] =	ssyncset.done $0x0  }
.LBB2_1:
0x18: {  	p0 =	sne.s32 s11, $0x1;
	s11 =	sadd.s32 $0xFFFFFFFF, s11;
	[sflag:s4] =	ssyncadd.s32 $0xFFFF8000  }
0x19: {  	[tilespmem:s3], [sflag:$0x2] =	stream.linear.gather [hbm4b:s5+s3], $0x100, $0x38;
	[tilespmem:$0x8100] =	vst v63  }
0x1a: {  	_ =	swait.ge [sflag:s4], $0x100  }
0x1b: {  	[sflag:s4] =	ssyncset.done $0x0  }
0x1c: {  	[sflag:s4] =	ssyncadd.s32 $0xFFFFFF00  }
0x1d: {  	[tilespmem:s7], [sflag:$0x1] =	stream.indirect.gather [hbm4b:s1+s6], $0x80, s3, s6, $0xb8;
	[tilespmem:$0x8100] =	vst v63  }
0x1e: {  	_ = 	snop  }
0x1f: {  	[tilespmem:s8], [sflag:$0x1] =	stream.indirect.gather [hbm4b:s1+s6], $0x80, s6, s6, $0xb8;
	[tilespmem:$0x8100] =	vst v63  }
0x20: {  	_ =	swait.ge [sflag:s9], $0x4000  }
0x21: {  	[sflag:s9] =	ssyncset.done $0x0  }
0x22: {  	[sflag:s9] =	ssyncadd.s32 $0xFFFFC000  }
0x23: {  	_ =	swait.ge [sflag:s9], $0x4000  }
.Ltmp1:
0x24: {  	[sflag:s9] =	ssyncset.done $0x0;
	(pc) =	sbr.rel @p0 .LBB2_1-.Ltmp1, $4  }
0x25: {  	[sflag:s9] =	ssyncadd.s32 $0xFFFFC000  }
0x26: {  	[hbm4b:s10+s3] =	stream.linear.scatter [tilespmem:s7], [sflag:$0x2], $0x8000, $0x38;
	[tilespmem:$0x8100] =	vst v63  }
0x27: {  	_ =	swait.ge [sflag:s4], $0x8000  }
0x28: {  	[sflag:s4] =	ssyncset.done $0x0  }
.LBB2_2:
0x29: {  	[sflag:s4] =	ssyncadd.s32 $0xFFFF8000  }
0x2a: {  	_ =	sfence.sel $0x180000  }
0x2b: {  	[bflag:$0x0] =	sbarrier.arrive $0xFFFF  }
0x2c: {  	p0 =	sne.s32 s0, $0x0;
	_ =	strace $0x9000004A  }
0x2d: {  	s0 =	sadd.s32 @!p0 $0x100000, s2;
	[bflag:$0x2] =	sbarrier.arrive $0xFFFF  }
0x2e: {  	[sflag:s0] =	ssyncadd.tile.s32 @!p0 $0x1;
	_ =	shalt  }
.Lfunc_end2:
_tile_overlayer_lowered:
.L_overlay_start_2:
0x2f: {  	(tag) =	ssettag $0x2  }
0x30: {  	s0 =	rddreg [dreg:$0x0];
	s2 =	stileid.u32  }
0x31: {  	s1 =	rddreg [dreg:$0x1];
	p0 =	sne.s32 s2, $0x0  }
0x32: {  	s3 =	rddreg [dreg:$0x2];
	[bflag:$0x3] =	sbarrier.arrive $0xFFFF;
	s2 =	simm.s32 @!p0 $0x1C02  }
0x33: {  	[timem:s3], [sflag:s2] =	dma.local @!p0 [hbm:s0], s1  }
0x34: {  	s0 =	simm.s32 @!p0 $0x2  }
0x35: {  	_ =	swait.ge @!p0 [sflag:s0], s1  }
0x36: {  	s1 =	ssub.s32 @!p0 $0x0, s1;
	[sflag:s0] =	ssyncset.done @!p0 $0x0  }
0x37: {  	[sflag:s0] =	ssyncadd.s32 @!p0 s1  }
0x38: {  	[bflag:$0x3] =	sbarrier.arrive $0xFFFF  }
0x39: {  	_ =	shalt  }

// kernel: kernel.7.cloned.1.call-start
scs
__scs_entry_jumppad:
0x0: {  	(pc) =	sbr.rel $0x88, $3  }
0x1: {  	(tag) =	ssettag $0x0;
	lr =	simm.s32 $0x1  }
0x2: {  	[smem:$0x3F92] =	sst lr;
	_ =	strace $0xD0000000  }
0x3: {  	_ = 	snop  }
0x4: {  	_ = 	snop  }
0x5: {  	_ = 	snop  }
0x6: {  	_ = 	snop  }
0x7: {  	_ = 	snop  }
__scs_overlays_trampoline_lowered:
0x8: {  	[smem:$0x3FA1] =	sst s0  }
0x9: {  	[smem:$0x3FA2] =	sst s1  }
0xa: {  	[smem:$0x3FA3] =	sst s2  }
0xb: {  	[smem:$0x3FA4] =	sst s3  }
0xc: {  	[smem:$0x3FA5] =	sst s4  }
0xd: {  	[smem:$0x3FA6] =	sst s5  }
0xe: {  	[smem:$0x3FA7] =	sst s6  }
0xf: {  	[smem:$0x3FA8] =	sst s7  }
0x10: {  	[smem:$0x3FA9] =	sst s8  }
0x11: {  	[smem:$0x3FAA] =	sst s9;
	s0 =	simm.s32 @!p0 $0x0  }
0x12: {  	s1 =	sld [smem:$0x3F90];
	s0 =	simm.s32 @p0 $0x1  }
0x13: {  	[smem:$0x3FAB] =	sst s0;
	s0 =	simm.s32 @!p1 $0x0  }
0x14: {  	s2 =	sld [smem:$0x3F8F];
	s0 =	simm.s32 @p1 $0x1  }
0x15: {  	[smem:$0x3FAC] =	sst s0;
	s0 =	simm.s32 @!p2 $0x0  }
0x16: {  	s3 =	sld [smem:$0x3FDB];
	s0 =	simm.s32 @p2 $0x1  }
0x17: {  	s4 =	simm.s32 $0x1BF5;
	[smem:$0x3FAE] =	sst s0  }
0x18: {  	s0 =	sld [smem:$0x3F91];
	_ =	swait.ge [sflag:s4], $0x0  }
0x19: {  	s7 =	sld [smem:$0x3F92]  }
0x1a: {  	s8 =	sadd.s32 $0xFFFFE003, lr  }
0x1b: {  	s9 =	sadd.s32 $0xFFFFFEF7, lr;
	s5 =	simm.s32 $0xFFFFFFFF;
	p2 =	slt.u32 s8, $0xFFFFF086  }
0x1c: {  	p1 =	slt.u32 s9, $0xF7A;
	s5 =	simm.s32 @!p2 $0x0  }
0x1d: {  	s5 =	simm.s32 @p1 $0x1;
	p0 =	seq.s32 s7, s2  }
0x1e: {  	s7 =	smul.u32 @!p0 $0xF7A, s2;
	p2 =	seq.s32 @!p0 s5, $0x0  }
0x1f: {  	s9 =	smul.u32 $0xF7A, s1;
	s8 =	simm.s32 @!p0 $0x1BF5;
	p2 =	por !p2, p0  }
0x20: {  	[sflag:s8] =	ssyncset.s32 @!p0 $0xFFFFF086;
	s6 =	sadd.s32 @!p0 s3, s7;
	s7 =	simm.s32 @!p0 $0x108  }
0x21: {  	s3 =	sadd.s32 s3, s9;
	s6 =	sadd.s32 @!p0 $0x88, s6;
	s7 =	simm.s32 @p2 $0x1082  }
0x22: {  	[simem:s7], [sflag:s8] =	dma.local @!p0 [hbm:s6], $0xF7A  }
0x23: {  	s9 =	sor.u32 $0xD0000000, s2;
	s6 =	simm.s32 $0x108;
	_ =	swait.ge @!p0 [sflag:s8], $0x0  }
0x24: {  	s3 =	sadd.s32 $0x88, s3;
	s6 =	simm.s32 @!p1 $0x1082;
	[sflag:s4] =	ssyncset.s32 $0xFFFFF086  }
0x25: {  	[simem:s6], [sflag:s4] =	dma.local [hbm:s3], $0xF7A  }
0x26: {  	[smem:$0x3F92] =	sst s1;
	(tag) =	ssettag s2;
	_ =	strace s9  }
0x27: {  	s1 =	sld [smem:$0x3FA2]  }
0x28: {  	s2 =	sld [smem:$0x3FA3]  }
0x29: {  	s4 =	sld [smem:$0x3FA5]  }
0x2a: {  	p0 =	seq.s32 s5, $0x0;
	s5 =	sld [smem:$0x3FA6]  }
0x2b: {  	s6 =	sld [smem:$0x3FA7]  }
0x2c: {  	s7 =	sld [smem:$0x3FA8]  }
0x2d: {  	s3 =	simm.s32 $0x108;
	s8 =	sld [smem:$0x3FA9]  }
0x2e: {  	s3 =	simm.s32 @!p0 $0x1082;
	s9 =	sld [smem:$0x3FAA]  }
0x2f: {  	lr =	sadd.s32 s0, s3;
	s0 =	sld [smem:$0x3FA1]  }
0x30: {  	s3 =	sld [smem:$0x3FA4]  }
0x31: {  	[smem:$0x3FAD] =	sst s10  }
0x32: {  	s10 =	sld [smem:$0x3FAB];
	_ =	sdelay $0x3  }
0x33: {  	p0 =	seq.s32 s10, $0x1;
	s10 =	sld [smem:$0x3FAD];
	_ =	sdelay $0x3  }
0x34: {  	[smem:$0x3FAD] =	sst s10  }
0x35: {  	s10 =	sld [smem:$0x3FAC];
	_ =	sdelay $0x3  }
0x36: {  	p1 =	seq.s32 s10, $0x1;
	s10 =	sld [smem:$0x3FAD];
	_ =	sdelay $0x3  }
0x37: {  	[smem:$0x3FAD] =	sst s10  }
0x38: {  	s10 =	sld [smem:$0x3FAE]  }
0x39: {  	_ = 	snop;
	(pc) =	sbr.ind lr, $3  }
0x3a: {  	_ = 	snop  }
0x3b: {  	_ = 	snop  }
0x3c: {  	p2 =	seq.s32 s10, $0x1;
	s10 =	sld [smem:$0x3FAD]  }
0x3d: {  	_ =	shalt  }
0x3e: {  	_ =	shalt  }
0x3f: {  	_ =	shalt  }
0x40: {  	_ =	shalt  }
0x41: {  	_ =	shalt  }
0x42: {  	_ =	shalt  }
0x43: {  	_ =	shalt  }
0x44: {  	_ =	shalt  }
0x45: {  	_ =	shalt  }
0x46: {  	_ =	shalt  }
0x47: {  	_ =	shalt  }
0x48: {  	_ =	shalt  }
0x49: {  	_ =	shalt  }
0x4a: {  	_ =	shalt  }
0x4b: {  	_ =	shalt  }
0x4c: {  	_ =	shalt  }
0x4d: {  	_ =	shalt  }
0x4e: {  	_ =	shalt  }
0x4f: {  	_ =	shalt  }
0x50: {  	_ =	shalt  }
0x51: {  	_ =	shalt  }
0x52: {  	_ =	shalt  }
0x53: {  	_ =	shalt  }
0x54: {  	_ =	shalt  }
0x55: {  	_ =	shalt  }
0x56: {  	_ =	shalt  }
0x57: {  	_ =	shalt  }
0x58: {  	_ =	shalt  }
0x59: {  	_ =	shalt  }
0x5a: {  	_ =	shalt  }
0x5b: {  	_ =	shalt  }
0x5c: {  	_ =	shalt  }
0x5d: {  	_ =	shalt  }
0x5e: {  	_ =	shalt  }
0x5f: {  	_ =	shalt  }
0x60: {  	_ =	shalt  }
0x61: {  	_ =	shalt  }
0x62: {  	_ =	shalt  }
0x63: {  	_ =	shalt  }
0x64: {  	_ =	shalt  }
0x65: {  	_ =	shalt  }
0x66: {  	_ =	shalt  }
0x67: {  	_ =	shalt  }
0x68: {  	_ =	shalt  }
0x69: {  	_ =	shalt  }
0x6a: {  	_ =	shalt  }
0x6b: {  	_ =	shalt  }
0x6c: {  	_ =	shalt  }
0x6d: {  	_ =	shalt  }
0x6e: {  	_ =	shalt  }
0x6f: {  	_ =	shalt  }
0x70: {  	_ =	shalt  }
0x71: {  	_ =	shalt  }
0x72: {  	_ =	shalt  }
0x73: {  	_ =	shalt  }
0x74: {  	_ =	shalt  }
0x75: {  	_ =	shalt  }
0x76: {  	_ =	shalt  }
0x77: {  	_ =	shalt  }
0x78: {  	_ =	shalt  }
0x79: {  	_ =	shalt  }
0x7a: {  	_ =	shalt  }
0x7b: {  	_ =	shalt  }
0x7c: {  	_ =	shalt  }
0x7d: {  	_ =	shalt  }
0x7e: {  	_ =	shalt  }
0x7f: {  	_ =	shalt  }
0x80: {  	_ =	shalt  }
0x81: {  	_ =	shalt  }
0x82: {  	_ =	shalt  }
0x83: {  	_ =	shalt  }
0x84: {  	_ =	shalt  }
0x85: {  	_ =	shalt  }
0x86: {  	_ =	shalt  }
0x87: {  	_ =	shalt  }
.Lfunc_end0:
.L_simem_size_0:
called_computation_lowered:
.L_overlay_start_0:
0x88: {  	s2 =	sld [smem:$0x3FD9]  }
0x89: {  	s3 =	sld [smem:$0x3FFE];
	_ =	sdelay $0x1  }
0x8a: {  	s1 =	srdreg.scid  }
0x8b: {  	s0 =	sand.u32 $0x1, s1  }
0x8c: {  	s14 =	sshll.u32 s0, $0xA;
	s2 =	sadd.s32 s3, s2  }
0x8d: {  	s2 =	sadd.s32 s2, s14  }
0x8e: {  	[smem:$0x3FB9] =	sst s2  }
0x8f: {  	_ = 	snop  }
0x90: {  	s2 =	sld [smem:$0x3FD0];
	_ =	sdelay $0x1  }
0x91: {  	s15 =	sld [smem:$0x3FC7]  }
0x92: {  	s5 =	simm.s32 $0xB;
	s6 =	simm.s32 $0x10;
	s4 =	sld [smem:$0x3FC6]  }
0x93: {  	[smem:s6], [sflag:s5] =	dma.local [hbm:s2], $0x1  }
0x94: {  	_ =	swait.eq [sflag:s5], $0x1  }
0x95: {  	[sflag:s5] =	ssyncset.done $0x0  }
0x96: {  	s16 =	sld [smem:$0x10];
	[sflag:s5] =	ssyncadd.s32 $0xFFFFFFFF  }
0x97: {  	s17 =	sld [smem:$0x11];
	(tm) =	ssettm $0x1  }
0x98: {  	s18 =	sld [smem:$0x3FFB];
	_ =	sdelay $0x3  }
0x99: {  	_ =	strace s18  }
0x9a: {  	s6 =	sld [smem:$0x3FFC];
	_ =	sdelay $0x3  }
0x9b: {  	_ =	strace s6  }
0x9c: {  	s6 =	sld [smem:$0x3FFD];
	_ =	sdelay $0x3  }
0x9d: {  	_ =	strace s6  }
0x9e: {  	_ =	strace $0x8FFFFFFF  }
0x9f: {  	s19 =	sld [smem:$0x3FDB];
	_ =	sdelay $0x1  }
0xa0: {  	s7 =	simm.s32 $_scs_section_size  }
0xa1: {  	s8 =	simm.s32 $_size__tile_overlayer_lowered;
	s9 =	simm.s32 $_tile_overlayer_lowered  }
0xa2: {  	s22 =	simm.s32 $0x1BFF;
	s21 =	sshll.u32 s9, $0x1;
	s6 =	sadd.s32 s7, s19  }
0xa3: {  	s10 =	simm.s32 $0x0;
	s20 =	sshll.u32 s8, $0x1;
	s8 =	sadd.s32 s21, s6  }
0xa4: {  	[timem:s10], [sflag:s22] =	dma.local [hbm:s8], s20  }
0xa5: {  	_ =	swait.ge [sflag:s22], s20  }
0xa6: {  	s7 =	ssub.s32 $0x0, s20;
	[sflag:s22] =	ssyncset.done $0x0  }
0xa7: {  	[sflag:s22] =	ssyncadd.s32 s7;
	_ =	sdelay $0x1  }
0xa8: {  	s23 =	simm.s32 $0x1B8B  }
0xa9: {  	_ =	swait.ge [sflag:s23], $0x1  }
0xaa: {  	[sflag:s23] =	ssyncset.done $0x0  }
0xab: {  	s25 =	simm.s32 $0x1B8E;
	s24 =	sld [smem:$0x3FFE];
	[sflag:s23] =	ssyncadd.s32 $0xFFFFFFFF  }
0xac: {  	s26 =	simm.s32 $execute0_lowered;
	[smem:$0x3FD2] =	sst s25  }
0xad: {  	s8 =	sshll.u32 s26, $0x1;
	_ =	strace $0x80000046;
	[dreg:$0x1] =	wrdreg $0xFFFFFFFF  }
0xae: {  	s28 =	simm.s32 $_size_execute0_lowered;
	s6 =	sadd.s32 s6, s8;
	[dreg:$0x0] =	wrdreg $0x0  }
0xaf: {  	s8 =	sshll.u32 s28, $0x1;
	[dreg:$0x2] =	wrdreg s6  }
0xb0: {  	[dreg:$0x3] =	wrdreg s8  }
0xb1: {  	[dreg:$0x4] =	wrdreg $0xC0  }
0xb2: {  	_ =	task [dreg:s10], $0x5FFFF  }
0xb3: {  	[dreg:$0x1] =	wrdreg $0xFFFFFFFF  }
0xb4: {  	[dreg:$0x0] =	wrdreg $0x60  }
0xb5: {  	[dreg:$0x2] =	wrdreg s4  }
0xb6: {  	[dreg:$0x3] =	wrdreg s15  }
0xb7: {  	[dreg:$0x4] =	wrdreg s16  }
0xb8: {  	[dreg:$0x5] =	wrdreg s24  }
0xb9: {  	[dreg:$0x6] =	wrdreg s17  }
0xba: {  	[dreg:$0x7] =	wrdreg $0x9  }
0xbb: {  	_ =	task.clear_ibuf [dreg:s10], $0x8FFFF;
	_ =	strace $0x90000046  }
0xbc: {  	s29 =	simm.s32 $0x9;
	_ =	strace $0x80000048  }
0xbd: {  	_ =	swait.ge [sflag:s29], $0x1  }
0xbe: {  	[sflag:s29] =	ssyncadd.s32 $0xFFFFFFFF  }
0xbf: {  	_ =	strace $0x90000048  }
0xc0: {  	_ =	sfence  }
0xc1: {  	s30 =	sld [smem:$0x0];
	_ =	sdelay $0x2  }
0xc2: {  	s31 =	sshll.u32 s1, $0xD;
	s1 =	sshrl.u32 s1, $0x2  }
0xc3: {  	s3 =	sand.u32 $0x4000, s31;
	s1 =	sadd.s32 s1, s30  }
0xc4: {  	s0 =	sor.u32 s3, s0;
	s1 =	sshll.u32 s1, $0x11  }
0xc5: {  	s0 =	sor.u32 s1, s0  }
0xc6: {  	s0 =	sadd.s32 $0x8F2B, s0  }
0xc7: {  	[sflag:s0] =	ssyncadd.remote.s32 $0x1  }
0xc8: {  	_ =	sfence.sel $0xFFFF  }
0xc9: {  	[dreg:$0x0] =	wrdreg $0xFFFFFFFF;
	(pc) =	sbr.abs _section_cstart, $3  }
0xca: {  	[dreg:$0x1] =	wrdreg $0xFFFFFFFF  }
0xcb: {  	_ =	task.clear_ibuf [dreg:s10], $0x2FFFF;
	_ =	strace $0x9FFFFFFF  }
0xcc: {  	(tm) =	ssettm $0x7FFFFFFF  }
0xcd: {  	_ =	shalt  }
tec
execute0_lowered:
.L_overlay_start_1:
0x0: {  	(tag) =	ssettag $0x1  }
0x1: {  	s1 =	rddreg [dreg:$0x0]  }
0x2: {  	s6 =	rddreg [dreg:$0x1]  }
0x3: {  	s3 =	rddreg [dreg:$0x2]  }
0x4: {  	s18 =	rddreg [dreg:$0x3]  }
0x5: {  	s2 =	srdreg.scid;
	s0 =	stileid.u32  }
0x6: {  	s4 =	rddreg [dreg:$0x4];
	s19 =	sand.u32 $0x1, s2;
	s7 =	sshll.u32 s0, $0x1  }
0x7: {  	s5 =	simm.s32 $0x0;
	s2 =	rddreg [dreg:$0x5];
	s20 =	sor.u32 s19, s7  }
0x8: {  	[smem:$0x7FF] =	sst s5;
	s7 =	sshll.u32 s20, $0x5  }
0x9: {  	_ =	strace $0x80000047;
	s7 =	sadd.s32 s6, s7;
	s6 =	simm.s32 $0x3  }
0xa: {  	[tilespmem:s5], [sflag:$0x3] =	stream.linear.gather [hbm4b:s7+s5], $0x100, $0x38;
	[tilespmem:$0x8580] =	vst v63  }
0xb: {  	_ =	swait.ge [sflag:s6], $0x100  }
0xc: {  	[sflag:s6] =	ssyncset.done $0x0  }
0xd: {  	s8 =	simm.s32 $0x80;
	s9 =	simm.s32 $0x100;
	[sflag:s6] =	ssyncadd.s32 $0xFFFFFF00  }
0xe: {  	[tilespmem:s9], [sflag:$0x1] =	stream.indirect.gather [hbm4b:s1+s8], $0x80, s5, s8, $0xb8;
	[tilespmem:$0x8580] =	vst v63  }
0xf: {  	s10 =	simm.s32 $0x4100;
	p0 =	sne.s32 s20, $0x0  }
0x10: {  	[tilespmem:s10], [sflag:$0x1] =	stream.indirect.gather [hbm4b:s1+s8], $0x80, s8, s8, $0xb8;
	[tilespmem:$0x8580] =	vst v63  }
0x11: {  	s11 =	simm.s32 @!p0 $0x0;
	s12 =	simm.s32 @!p0 $0x8100;
	s13 =	simm.s32 @!p0 $0x3  }
0x12: {  	[tilespmem:s12], [sflag:$0x3] =	stream.linear.gather @!p0 [hbm4b:s3+s11], $0x80, $0x38;
	[tilespmem:$0x8580] =	vst v63  }
0x13: {  	_ =	swait.ge @!p0 [sflag:s13], $0x80  }
0x14: {  	s14 =	simm.s32 @!p0 $0x2;
	[sflag:s13] =	ssyncset.done @!p0 $0x0  }
0x15: {  	s15 =	simm.s32 @!p0 $0x8;
	s16 =	simm.s32 @!p0 $0x8180;
	[sflag:s13] =	ssyncadd.s32 @!p0 $0xFFFFFF80  }
0x16: {  	[tilespmem:s16], [sflag:$0x2] =	stream.indirect.gather @!p0 [hbm4b:s1+s15], $0x80, s12, s15, $0xb8;
	[tilespmem:$0x8580] =	vst v63  }
0x17: {  	_ =	swait.ge @!p0 [sflag:s14], $0x400  }
0x18: {  	[sflag:s14] =	ssyncset.done @!p0 $0x0  }
0x19: {  	[sflag:s14] =	ssyncadd.s32 @!p0 $0xFFFFFC00  }
0x1a: {  	[hbm4b:s4+s11] =	stream.linear.scatter @!p0 [tilespmem:s16], [sflag:$0x3], $0x400, $0x38;
	[tilespmem:$0x8580] =	vst v63  }
0x1b: {  	_ =	swait.ge @!p0 [sflag:s13], $0x400  }
0x1c: {  	s19 =	ssub.s32 $0x2, s19;
	[sflag:s13] =	ssyncset.done @!p0 $0x0  }
0x1d: {  	s17 =	simm.s32 $0x1;
	s21 =	sshrl.u32 s19, $0x1;
	[sflag:s13] =	ssyncadd.s32 @!p0 $0xFFFFFC00  }
0x1e: {  	s19 =	ssub.s32 s19, s21;
	_ =	swait.ge [sflag:s17], $0x4000  }
0x1f: {  	s19 =	smax.u32 s19, $0x1;
	[sflag:s17] =	ssyncset.done $0x0  }
0x20: {  	s19 =	sadd.s32 $0xFFFFFFFF, s19;
	[sflag:s17] =	ssyncadd.s32 $0xFFFFC000  }
0x21: {  	s20 =	sshll.u32 s20, $0xC;
	p1 =	sne.s32 s19, $0x0;
	_ =	swait.ge [sflag:s17], $0x4000  }
.Ltmp0:
0x22: {  	s18 =	sadd.s32 s20, s18;
	[sflag:s17] =	ssyncset.done $0x0;
	(pc) =	sbr.rel @!p1 .LBB2_2-.Ltmp0, $4  }
0x23: {  	s18 =	sadd.s32 $0x2A00, s18;
	[sflag:s17] =	ssyncadd.s32 $0xFFFFC000  }
0x24: {  	[hbm4b:s18+s5] =	stream.linear.scatter [tilespmem:s9], [sflag:$0x3], $0x8000, $0x38;
	[tilespmem:$0x8580] =	vst v63  }
0x25: {  	_ =	swait.ge [sflag:s6], $0x8000  }
0x26: {  	[sflag:s6] =	ssyncset.done $0x0  }
.LBB2_1:
0x27: {  	s19 =	sadd.s32 $0xFFFFFFFF, s19;
	[sflag:s6] =	ssyncadd.s32 $0xFFFF8000  }
0x28: {  	[tilespmem:s5], [sflag:$0x3] =	stream.linear.gather [hbm4b:s7+s5], $0x100, $0x38;
	[tilespmem:$0x8580] =	vst v63  }
0x29: {  	p1 =	sne.s32 s19, $0x0;
	_ =	swait.ge [sflag:s6], $0x100  }
0x2a: {  	[sflag:s6] =	ssyncset.done $0x0  }
0x2b: {  	[sflag:s6] =	ssyncadd.s32 $0xFFFFFF00  }
0x2c: {  	[tilespmem:s9], [sflag:$0x1] =	stream.indirect.gather [hbm4b:s1+s8], $0x80, s5, s8, $0xb8;
	[tilespmem:$0x8580] =	vst v63  }
0x2d: {  	_ = 	snop  }
0x2e: {  	[tilespmem:s10], [sflag:$0x1] =	stream.indirect.gather [hbm4b:s1+s8], $0x80, s8, s8, $0xb8;
	[tilespmem:$0x8580] =	vst v63  }
0x2f: {  	_ = 	snop  }
0x30: {  	[tilespmem:s12], [sflag:$0x3] =	stream.linear.gather @!p0 [hbm4b:s3+s11], $0x80, $0x38;
	[tilespmem:$0x8580] =	vst v63  }
0x31: {  	_ =	swait.ge @!p0 [sflag:s13], $0x80  }
0x32: {  	[sflag:s13] =	ssyncset.done @!p0 $0x0  }
0x33: {  	[sflag:s13] =	ssyncadd.s32 @!p0 $0xFFFFFF80  }
0x34: {  	[tilespmem:s16], [sflag:$0x2] =	stream.indirect.gather @!p0 [hbm4b:s1+s15], $0x80, s12, s15, $0xb8;
	[tilespmem:$0x8580] =	vst v63  }
0x35: {  	_ =	swait.ge @!p0 [sflag:s14], $0x400  }
0x36: {  	[sflag:s14] =	ssyncset.done @!p0 $0x0  }
0x37: {  	[sflag:s14] =	ssyncadd.s32 @!p0 $0xFFFFFC00  }
0x38: {  	[hbm4b:s4+s11] =	stream.linear.scatter @!p0 [tilespmem:s16], [sflag:$0x3], $0x400, $0x38;
	[tilespmem:$0x8580] =	vst v63  }
0x39: {  	_ =	swait.ge @!p0 [sflag:s13], $0x400  }
0x3a: {  	[sflag:s13] =	ssyncset.done @!p0 $0x0  }
0x3b: {  	[sflag:s13] =	ssyncadd.s32 @!p0 $0xFFFFFC00  }
0x3c: {  	_ =	swait.ge [sflag:s17], $0x4000  }
0x3d: {  	[sflag:s17] =	ssyncset.done $0x0  }
0x3e: {  	[sflag:s17] =	ssyncadd.s32 $0xFFFFC000  }
0x3f: {  	_ =	swait.ge [sflag:s17], $0x4000  }
.Ltmp1:
0x40: {  	[sflag:s17] =	ssyncset.done $0x0;
	(pc) =	sbr.rel @p1 .LBB2_1-.Ltmp1, $4  }
0x41: {  	[sflag:s17] =	ssyncadd.s32 $0xFFFFC000  }
0x42: {  	[hbm4b:s18+s5] =	stream.linear.scatter [tilespmem:s9], [sflag:$0x3], $0x8000, $0x38;
	[tilespmem:$0x8580] =	vst v63  }
0x43: {  	_ =	swait.ge [sflag:s6], $0x8000  }
0x44: {  	[sflag:s6] =	ssyncset.done $0x0  }
.LBB2_2:
0x45: {  	[sflag:s6] =	ssyncadd.s32 $0xFFFF8000  }
0x46: {  	_ =	sfence.sel $0x180000  }
0x47: {  	[bflag:$0x0] =	sbarrier.arrive $0xFFFF  }
0x48: {  	p0 =	sne.s32 s0, $0x0;
	_ =	strace $0x90000047  }
0x49: {  	s0 =	sadd.s32 @!p0 $0x100000, s2;
	[bflag:$0x2] =	sbarrier.arrive $0xFFFF  }
0x4a: {  	[sflag:s0] =	ssyncadd.tile.s32 @!p0 $0x1;
	_ =	shalt  }
.Lfunc_end2:
_tile_overlayer_lowered:
.L_overlay_start_2:
0x4b: {  	(tag) =	ssettag $0x2  }
0x4c: {  	s0 =	rddreg [dreg:$0x0];
	s2 =	stileid.u32  }
0x4d: {  	s1 =	rddreg [dreg:$0x1];
	p0 =	sne.s32 s2, $0x0  }
0x4e: {  	s3 =	rddreg [dreg:$0x2];
	[bflag:$0x3] =	sbarrier.arrive $0xFFFF;
	s2 =	simm.s32 @!p0 $0x1C03  }
0x4f: {  	[timem:s3], [sflag:s2] =	dma.local @!p0 [hbm:s0], s1  }
0x50: {  	s0 =	simm.s32 @!p0 $0x3  }
0x51: {  	_ =	swait.ge @!p0 [sflag:s0], s1  }
0x52: {  	s1 =	ssub.s32 @!p0 $0x0, s1;
	[sflag:s0] =	ssyncset.done @!p0 $0x0  }
0x53: {  	[sflag:s0] =	ssyncadd.s32 @!p0 s1  }
0x54: {  	[bflag:$0x3] =	sbarrier.arrive $0xFFFF  }
0x55: {  	_ =	shalt  }

</sc_bundles>
